<compile_context>
chip_gen: v7x
topology: tpu7x:2x2x1
jax: 0.10.2.dev20260603
libtpu: 0.0.44.dev20260713+nightly
codegen_flags: <defaults>
</compile_context>

<pallas_src>
import functools

import jax
import jax.numpy as jnp
from jax import lax
from jax.experimental import pallas as pl
from jax.experimental.pallas import tpu as pltpu
from jax.experimental.pallas import tpu_sc as plsc

_NC = 2
_NS = 16
_NW = _NC * _NS
_L = 16


def _make_kernel(n):
    assert n % _L == 0
    nvec = n // _L
    vmain = -(-nvec // _NW)
    vlast = nvec - (_NW - 1) * vmain
    assert 0 < vlast <= vmain
    cmain = vmain * _L
    clast = vlast * _L

    mesh = plsc.VectorSubcoreMesh(core_axis_name="c", subcore_axis_name="s")

    @functools.partial(
        pl.kernel,
        out_type=jax.ShapeDtypeStruct((n,), jnp.float32),
        mesh=mesh,
        compiler_params=pltpu.CompilerParams(needs_layout_passes=False),
        scratch_types=[
            pltpu.VMEM((cmain,), jnp.float32),
            pltpu.VMEM((cmain,), jnp.int32),
            pltpu.VMEM((cmain,), jnp.float32),
            pltpu.VMEM((_L,), jnp.float32),
            pltpu.VMEM((_L,), jnp.float32),
            pltpu.SemaphoreType.DMA,
            pltpu.SemaphoreType.DMA,
        ],
    )
    def rescale(x_hbm, t_hbm, scale_hbm, shift_hbm, out_hbm,
                x_v, t_v, o_v, scale_v, shift_v, sem_in, sem_out):
        wid = lax.axis_index("s") * _NC + lax.axis_index("c")
        base = wid * cmain
        is_last = wid == _NW - 1

        main_in = [
            pltpu.make_async_copy(x_hbm.at[pl.ds(base, cmain)], x_v, sem_in),
            pltpu.make_async_copy(t_hbm.at[pl.ds(base, cmain)], t_v, sem_in),
        ]
        last_in = [
            pltpu.make_async_copy(x_hbm.at[pl.ds(base, clast)],
                                  x_v.at[pl.ds(0, clast)], sem_in),
            pltpu.make_async_copy(t_hbm.at[pl.ds(base, clast)],
                                  t_v.at[pl.ds(0, clast)], sem_in),
        ]

        @pl.when(jnp.logical_not(is_last))
        def _():
            for c in main_in:
                c.start()

        @pl.when(is_last)
        def _():
            for c in last_in:
                c.start()

        cs = pltpu.async_copy(scale_hbm, scale_v, sem_in)
        cb = pltpu.async_copy(shift_hbm, shift_v, sem_in)
        cs.wait()
        cb.wait()

        def compute(off):
            idx = t_v[pl.ds(off, _L)]
            xv = x_v[pl.ds(off, _L)]
            s = plsc.load_gather(scale_v, [idx])
            b = plsc.load_gather(shift_v, [idx])
            o_v[pl.ds(off, _L)] = xv * s + b

        def work(c, copies):
            for cp in copies:
                cp.wait()
            h = (c // (2 * _L)) * _L
            plsc.parallel_loop(0, h, step=_L, unroll=8)(compute)
            st1 = pltpu.async_copy(
                o_v.at[pl.ds(0, h)], out_hbm.at[pl.ds(base, h)], sem_out)
            plsc.parallel_loop(h, c, step=_L, unroll=8)(compute)
            st2 = pltpu.async_copy(
                o_v.at[pl.ds(h, c - h)],
                out_hbm.at[pl.ds(base + h, c - h)], sem_out)
            st1.wait()
            st2.wait()

        @pl.when(jnp.logical_not(is_last))
        def _():
            work(cmain, main_in)

        @pl.when(is_last)
        def _():
            work(clast, last_in)

    return rescale


def kernel(scaled_atomic_energy, atom_type, scale, shift):
    n = scaled_atomic_energy.shape[0]
    x = scaled_atomic_energy.reshape(n)
    t = atom_type.astype(jnp.int32)
    out = _make_kernel(n)(x, t, scale, shift)
    return out.reshape(n, 1)

# --- scband reference (transcript-rebuilt; emitter-appended) ---
"""Pipeline reference for scband-species-wise-rescale-16037407883595 (READ-ONLY COPY).

The authoritative reference and input builder live on the scoring server;
editing this copy changes nothing except your own understanding.
"""

import jax, jax.numpy as jnp
import numpy as np

SHIFT = [-3.6619, -1.1704, -5.4423, -2.8871, -7.5214, -8.2987, -9.7511, -6.3021, -4.1198, -0.0253, -2.4471, -1.5631, -5.9028, -7.8341, -6.7415, -4.5562]
SCALE = [0.8721, 1.1034, 0.9456, 1.2317, 0.7789, 1.0542, 0.9123, 1.3318, 0.8934, 1.0078, 1.1523, 0.9687, 0.8412, 1.2045, 1.0311, 0.9259]

N_ATOMS = 100000
N_SPECIES = 16


def setup_inputs(seed: int = 0) -> dict:
    key = jax.random.key(seed)
    k1, k2 = jax.random.split(key)
    scaled_atomic_energy = jax.random.normal(k1, (N_ATOMS, 1), dtype=jnp.float32)
    atom_type = jax.random.randint(k2, (N_ATOMS,), 0, N_SPECIES, dtype=jnp.int64)
    shift = jnp.asarray(SHIFT, dtype=jnp.float32)
    scale = jnp.asarray(SCALE, dtype=jnp.float32)
    return {
        "scaled_atomic_energy": scaled_atomic_energy,
        "atom_type": atom_type,
        "scale": scale,
        "shift": shift,
    }


def reference(scaled_atomic_energy, atom_type, scale, shift):
    # atomic_energy = scaled_e * scale[species].view(-1,1) + shift[species].view(-1,1)
    s = jnp.take(scale, atom_type, axis=0).reshape(-1, 1)
    b = jnp.take(shift, atom_type, axis=0).reshape(-1, 1)
    atomic_energy = scaled_atomic_energy * s + b
    return atomic_energy

if __name__ == "__main__":
    import jax
    _d = setup_inputs()
    print(jax.jit(kernel)(*tuple(_d.values())))

</pallas_src>

<mosaic_0001>
#map = affine_map<(d0, d1) -> (0)>
module attributes {stable_mosaic.version = 14 : i64} {
  func.func @rescale(%arg0: i32, %arg1: i32, %arg2: memref<100000xf32, #tpu.memory_space<hbm>>, %arg3: memref<100000xi32, #tpu.memory_space<hbm>>, %arg4: memref<16xf32, #tpu.memory_space<hbm>>, %arg5: memref<16xf32, #tpu.memory_space<hbm>>, %arg6: memref<100000xf32, #tpu.memory_space<hbm>>, %arg7: memref<3136xf32, #tpu.memory_space<vmem>>, %arg8: memref<3136xi32, #tpu.memory_space<vmem>>, %arg9: memref<3136xf32, #tpu.memory_space<vmem>>, %arg10: memref<16xf32, #tpu.memory_space<vmem>>, %arg11: memref<16xf32, #tpu.memory_space<vmem>>, %arg12: memref<!tpu.dma_semaphore, #tpu.memory_space<semaphore_mem>>, %arg13: memref<!tpu.dma_semaphore, #tpu.memory_space<semaphore_mem>>) attributes {dimension_semantics = [#tpu.dimension_semantics<core_parallel>, #tpu.dimension_semantics<subcore_parallel>], iteration_bounds = array<i64: 2, 16>, scalar_prefetch = 0 : i64, scratch_operands = 7 : i64, tpu.core_type = #tpu.core_type<sc_vector_subcore>, window_params = [{transform_indices = #map}, {transform_indices = #map}, {transform_indices = #map}, {transform_indices = #map}, {transform_indices = #map}]} {
    %mul3A = arith.constant 2 : i32
    %mul3A_0 = arith.muli %arg1, %mul3A : i32
    %add3A = arith.addi %mul3A_0, %arg0 : i32
    %mul3A_1 = arith.constant 3136 : i32
    %mul3A_2 = arith.muli %add3A, %mul3A_1 : i32
    %eq3A = arith.constant 31 : i32
    %eq3A_3 = arith.cmpi eq, %add3A, %eq3A : i32
    %not3A = arith.constant true
    %not3A_4 = arith.xori %eq3A_3, %not3A : i1
    %convert_element_type3A = arith.extui %not3A_4 : i1 to i32
    %cond3A = arith.constant 0 : i32
    %cond3A_5 = arith.cmpi ne, %convert_element_type3A, %cond3A : i32
    scf.if %cond3A_5 {
      %dma_start3A = tpu.memref_slice %arg2[%mul3A_2] : memref<100000xf32, #tpu.memory_space<hbm>> -> memref<3136xf32, #tpu.memory_space<hbm>>
      %dma_start3A_17 = tpu.memref_slice %arg2[%mul3A_2] : memref<100000xf32, #tpu.memory_space<hbm>> -> memref<3136xf32, #tpu.memory_space<hbm>>
      tpu.enqueue_dma source(%dma_start3A_17 : memref<3136xf32, #tpu.memory_space<hbm>>) target(%arg7 : memref<3136xf32, #tpu.memory_space<vmem>>) target_semaphore(%arg12 : memref<!tpu.dma_semaphore, #tpu.memory_space<semaphore_mem>>)
      %dma_start3A_18 = tpu.memref_slice %arg3[%mul3A_2] : memref<100000xi32, #tpu.memory_space<hbm>> -> memref<3136xi32, #tpu.memory_space<hbm>>
      %dma_start3A_19 = tpu.memref_slice %arg3[%mul3A_2] : memref<100000xi32, #tpu.memory_space<hbm>> -> memref<3136xi32, #tpu.memory_space<hbm>>
      tpu.enqueue_dma source(%dma_start3A_19 : memref<3136xi32, #tpu.memory_space<hbm>>) target(%arg8 : memref<3136xi32, #tpu.memory_space<vmem>>) target_semaphore(%arg12 : memref<!tpu.dma_semaphore, #tpu.memory_space<semaphore_mem>>)
    } else {
    }
    %convert_element_type3A_6 = arith.extui %eq3A_3 : i1 to i32
    %cond3A_7 = arith.constant 0 : i32
    %cond3A_8 = arith.cmpi ne, %convert_element_type3A_6, %cond3A_7 : i32
    scf.if %cond3A_8 {
      %dma_start3A = arith.constant 0 : i32
      %dma_start3A_17 = tpu.memref_slice %arg7[%dma_start3A] : memref<3136xf32, #tpu.memory_space<vmem>> -> memref<2784xf32, #tpu.memory_space<vmem>>
      %dma_start3A_18 = tpu.memref_slice %arg2[%mul3A_2] : memref<100000xf32, #tpu.memory_space<hbm>> -> memref<2784xf32, #tpu.memory_space<hbm>>
      %dma_start3A_19 = arith.constant 0 : i32
      %dma_start3A_20 = tpu.memref_slice %arg7[%dma_start3A_19] : memref<3136xf32, #tpu.memory_space<vmem>> -> memref<2784xf32, #tpu.memory_space<vmem>>
      %dma_start3A_21 = tpu.memref_slice %arg2[%mul3A_2] : memref<100000xf32, #tpu.memory_space<hbm>> -> memref<2784xf32, #tpu.memory_space<hbm>>
      tpu.enqueue_dma source(%dma_start3A_21 : memref<2784xf32, #tpu.memory_space<hbm>>) target(%dma_start3A_20 : memref<2784xf32, #tpu.memory_space<vmem>>) target_semaphore(%arg12 : memref<!tpu.dma_semaphore, #tpu.memory_space<semaphore_mem>>)
      %dma_start3A_22 = arith.constant 0 : i32
      %dma_start3A_23 = tpu.memref_slice %arg8[%dma_start3A_22] : memref<3136xi32, #tpu.memory_space<vmem>> -> memref<2784xi32, #tpu.memory_space<vmem>>
      %dma_start3A_24 = tpu.memref_slice %arg3[%mul3A_2] : memref<100000xi32, #tpu.memory_space<hbm>> -> memref<2784xi32, #tpu.memory_space<hbm>>
      %dma_start3A_25 = arith.constant 0 : i32
      %dma_start3A_26 = tpu.memref_slice %arg8[%dma_start3A_25] : memref<3136xi32, #tpu.memory_space<vmem>> -> memref<2784xi32, #tpu.memory_space<vmem>>
      %dma_start3A_27 = tpu.memref_slice %arg3[%mul3A_2] : memref<100000xi32, #tpu.memory_space<hbm>> -> memref<2784xi32, #tpu.memory_space<hbm>>
      tpu.enqueue_dma source(%dma_start3A_27 : memref<2784xi32, #tpu.memory_space<hbm>>) target(%dma_start3A_26 : memref<2784xi32, #tpu.memory_space<vmem>>) target_semaphore(%arg12 : memref<!tpu.dma_semaphore, #tpu.memory_space<semaphore_mem>>)
    } else {
    }
    tpu.enqueue_dma source(%arg4 : memref<16xf32, #tpu.memory_space<hbm>>) target(%arg10 : memref<16xf32, #tpu.memory_space<vmem>>) target_semaphore(%arg12 : memref<!tpu.dma_semaphore, #tpu.memory_space<semaphore_mem>>)
    tpu.enqueue_dma source(%arg5 : memref<16xf32, #tpu.memory_space<hbm>>) target(%arg11 : memref<16xf32, #tpu.memory_space<vmem>>) target_semaphore(%arg12 : memref<!tpu.dma_semaphore, #tpu.memory_space<semaphore_mem>>)
    tpu.wait_dma2 semaphore(%arg12 : memref<!tpu.dma_semaphore, #tpu.memory_space<semaphore_mem>>) src(%arg4 : memref<16xf32, #tpu.memory_space<hbm>>) dst(%arg10 : memref<16xf32, #tpu.memory_space<vmem>>)
    tpu.wait_dma2 semaphore(%arg12 : memref<!tpu.dma_semaphore, #tpu.memory_space<semaphore_mem>>) src(%arg5 : memref<16xf32, #tpu.memory_space<hbm>>) dst(%arg11 : memref<16xf32, #tpu.memory_space<vmem>>)
    %not3A_9 = arith.constant true
    %not3A_10 = arith.xori %eq3A_3, %not3A_9 : i1
    %convert_element_type3A_11 = arith.extui %not3A_10 : i1 to i32
    %cond3A_12 = arith.constant 0 : i32
    %cond3A_13 = arith.cmpi ne, %convert_element_type3A_11, %cond3A_12 : i32
    scf.if %cond3A_13 {
      %dma_wait3A = tpu.memref_slice %arg2[%mul3A_2] : memref<100000xf32, #tpu.memory_space<hbm>> -> memref<3136xf32, #tpu.memory_space<hbm>>
      %dma_wait3A_17 = tpu.memref_slice %arg2[%mul3A_2] : memref<100000xf32, #tpu.memory_space<hbm>> -> memref<3136xf32, #tpu.memory_space<hbm>>
      tpu.wait_dma2 semaphore(%arg12 : memref<!tpu.dma_semaphore, #tpu.memory_space<semaphore_mem>>) src(%dma_wait3A_17 : memref<3136xf32, #tpu.memory_space<hbm>>) dst(%arg7 : memref<3136xf32, #tpu.memory_space<vmem>>)
      %dma_wait3A_18 = tpu.memref_slice %arg3[%mul3A_2] : memref<100000xi32, #tpu.memory_space<hbm>> -> memref<3136xi32, #tpu.memory_space<hbm>>
      %dma_wait3A_19 = tpu.memref_slice %arg3[%mul3A_2] : memref<100000xi32, #tpu.memory_space<hbm>> -> memref<3136xi32, #tpu.memory_space<hbm>>
      tpu.wait_dma2 semaphore(%arg12 : memref<!tpu.dma_semaphore, #tpu.memory_space<semaphore_mem>>) src(%dma_wait3A_19 : memref<3136xi32, #tpu.memory_space<hbm>>) dst(%arg8 : memref<3136xi32, #tpu.memory_space<vmem>>)
      %parallel_loop3A = arith.constant 0 : i32
      %parallel_loop3A_20 = arith.constant 1568 : i32
      %parallel_loop3A_21 = arith.constant 16 : i32
      scf.for %parallel_loop3A_50 = %parallel_loop3A to %parallel_loop3A_20 step %parallel_loop3A_21  : i32 {
        %parallel_loop3A_51 = arith.index_cast %parallel_loop3A_50 : i32 to index
        %parallel_loop3A_52 = tpu.vector_load %arg8[%parallel_loop3A_51] {strides = array<i32>} : memref<3136xi32, #tpu.memory_space<vmem>>, vector<16xi32>,
        %parallel_loop3A_53 = arith.index_cast %parallel_loop3A_50 : i32 to index
        %parallel_loop3A_54 = tpu.vector_load %arg7[%parallel_loop3A_53] {strides = array<i32>} : memref<3136xf32, #tpu.memory_space<vmem>>, vector<16xf32>,
        %parallel_loop3A_55 = tpu.vector_load_idx %arg10[%parallel_loop3A_52] : memref<16xf32, #tpu.memory_space<vmem>>[vector<16xi32>], vector<16xf32>,
        %parallel_loop3A_56 = tpu.vector_load_idx %arg11[%parallel_loop3A_52] : memref<16xf32, #tpu.memory_space<vmem>>[vector<16xi32>], vector<16xf32>,
        %parallel_loop3A_57 = arith.mulf %parallel_loop3A_54, %parallel_loop3A_55 : vector<16xf32>
        %parallel_loop3A_58 = arith.addf %parallel_loop3A_57, %parallel_loop3A_56 : vector<16xf32>
        %parallel_loop3A_59 = arith.index_cast %parallel_loop3A_50 : i32 to index
        %parallel_loop3A_60 = tpu.vector_load %arg9[%parallel_loop3A_59] {strides = array<i32>} : memref<3136xf32, #tpu.memory_space<vmem>>, vector<16xf32>,
        tpu.vector_store %arg9[%parallel_loop3A_59], %parallel_loop3A_58 {strides = array<i32>} : memref<3136xf32, #tpu.memory_space<vmem>>, vector<16xf32>,
      } {sc.loop_unroll_factor = 8 : i64, sc.parallel_access}
      %dma_start3A = arith.constant 0 : i32
      %dma_start3A_22 = tpu.memref_slice %arg9[%dma_start3A] : memref<3136xf32, #tpu.memory_space<vmem>> -> memref<1568xf32, #tpu.memory_space<vmem>>
      %dma_start3A_23 = tpu.memref_slice %arg6[%mul3A_2] : memref<100000xf32, #tpu.memory_space<hbm>> -> memref<1568xf32, #tpu.memory_space<hbm>>
      %dma_start3A_24 = tpu.memref_slice %arg6[%mul3A_2] : memref<100000xf32, #tpu.memory_space<hbm>> -> memref<1568xf32, #tpu.memory_space<hbm>>
      %dma_start3A_25 = arith.constant 0 : i32
      %dma_start3A_26 = tpu.memref_slice %arg9[%dma_start3A_25] : memref<3136xf32, #tpu.memory_space<vmem>> -> memref<1568xf32, #tpu.memory_space<vmem>>
      tpu.enqueue_dma source(%dma_start3A_26 : memref<1568xf32, #tpu.memory_space<vmem>>) target(%dma_start3A_24 : memref<1568xf32, #tpu.memory_space<hbm>>) target_semaphore(%arg13 : memref<!tpu.dma_semaphore, #tpu.memory_space<semaphore_mem>>)
      %parallel_loop3A_27 = arith.constant 1568 : i32
      %parallel_loop3A_28 = arith.constant 3136 : i32
      %parallel_loop3A_29 = arith.constant 16 : i32
      scf.for %parallel_loop3A_50 = %parallel_loop3A_27 to %parallel_loop3A_28 step %parallel_loop3A_29  : i32 {
        %parallel_loop3A_51 = arith.index_cast %parallel_loop3A_50 : i32 to index
        %parallel_loop3A_52 = tpu.vector_load %arg8[%parallel_loop3A_51] {strides = array<i32>} : memref<3136xi32, #tpu.memory_space<vmem>>, vector<16xi32>,
        %parallel_loop3A_53 = arith.index_cast %parallel_loop3A_50 : i32 to index
        %parallel_loop3A_54 = tpu.vector_load %arg7[%parallel_loop3A_53] {strides = array<i32>} : memref<3136xf32, #tpu.memory_space<vmem>>, vector<16xf32>,
        %parallel_loop3A_55 = tpu.vector_load_idx %arg10[%parallel_loop3A_52] : memref<16xf32, #tpu.memory_space<vmem>>[vector<16xi32>], vector<16xf32>,
        %parallel_loop3A_56 = tpu.vector_load_idx %arg11[%parallel_loop3A_52] : memref<16xf32, #tpu.memory_space<vmem>>[vector<16xi32>], vector<16xf32>,
        %parallel_loop3A_57 = arith.mulf %parallel_loop3A_54, %parallel_loop3A_55 : vector<16xf32>
        %parallel_loop3A_58 = arith.addf %parallel_loop3A_57, %parallel_loop3A_56 : vector<16xf32>
        %parallel_loop3A_59 = arith.index_cast %parallel_loop3A_50 : i32 to index
        %parallel_loop3A_60 = tpu.vector_load %arg9[%parallel_loop3A_59] {strides = array<i32>} : memref<3136xf32, #tpu.memory_space<vmem>>, vector<16xf32>,
        tpu.vector_store %arg9[%parallel_loop3A_59], %parallel_loop3A_58 {strides = array<i32>} : memref<3136xf32, #tpu.memory_space<vmem>>, vector<16xf32>,
      } {sc.loop_unroll_factor = 8 : i64, sc.parallel_access}
      %add3A_30 = arith.constant 1568 : i32
      %add3A_31 = arith.addi %mul3A_2, %add3A_30 : i32
      %dma_start3A_32 = arith.constant 1568 : i32
      %dma_start3A_33 = tpu.memref_slice %arg9[%dma_start3A_32] : memref<3136xf32, #tpu.memory_space<vmem>> -> memref<1568xf32, #tpu.memory_space<vmem>>
      %dma_start3A_34 = tpu.memref_slice %arg6[%add3A_31] : memref<100000xf32, #tpu.memory_space<hbm>> -> memref<1568xf32, #tpu.memory_space<hbm>>
      %dma_start3A_35 = tpu.memref_slice %arg6[%add3A_31] : memref<100000xf32, #tpu.memory_space<hbm>> -> memref<1568xf32, #tpu.memory_space<hbm>>
      %dma_start3A_36 = arith.constant 1568 : i32
      %dma_start3A_37 = tpu.memref_slice %arg9[%dma_start3A_36] : memref<3136xf32, #tpu.memory_space<vmem>> -> memref<1568xf32, #tpu.memory_space<vmem>>
      tpu.enqueue_dma source(%dma_start3A_37 : memref<1568xf32, #tpu.memory_space<vmem>>) target(%dma_start3A_35 : memref<1568xf32, #tpu.memory_space<hbm>>) target_semaphore(%arg13 : memref<!tpu.dma_semaphore, #tpu.memory_space<semaphore_mem>>)
      %dma_wait3A_38 = arith.constant 0 : i32
      %dma_wait3A_39 = tpu.memref_slice %arg9[%dma_wait3A_38] : memref<3136xf32, #tpu.memory_space<vmem>> -> memref<1568xf32, #tpu.memory_space<vmem>>
      %dma_wait3A_40 = tpu.memref_slice %arg6[%mul3A_2] : memref<100000xf32, #tpu.memory_space<hbm>> -> memref<1568xf32, #tpu.memory_space<hbm>>
      %dma_wait3A_41 = tpu.memref_slice %arg6[%mul3A_2] : memref<100000xf32, #tpu.memory_space<hbm>> -> memref<1568xf32, #tpu.memory_space<hbm>>
      %dma_wait3A_42 = arith.constant 0 : i32
      %dma_wait3A_43 = tpu.memref_slice %arg9[%dma_wait3A_42] : memref<3136xf32, #tpu.memory_space<vmem>> -> memref<1568xf32, #tpu.memory_space<vmem>>
      tpu.wait_dma2 semaphore(%arg13 : memref<!tpu.dma_semaphore, #tpu.memory_space<semaphore_mem>>) src(%dma_wait3A_43 : memref<1568xf32, #tpu.memory_space<vmem>>) dst(%dma_wait3A_41 : memref<1568xf32, #tpu.memory_space<hbm>>)
      %dma_wait3A_44 = arith.constant 1568 : i32
      %dma_wait3A_45 = tpu.memref_slice %arg9[%dma_wait3A_44] : memref<3136xf32, #tpu.memory_space<vmem>> -> memref<1568xf32, #tpu.memory_space<vmem>>
      %dma_wait3A_46 = tpu.memref_slice %arg6[%add3A_31] : memref<100000xf32, #tpu.memory_space<hbm>> -> memref<1568xf32, #tpu.memory_space<hbm>>
      %dma_wait3A_47 = tpu.memref_slice %arg6[%add3A_31] : memref<100000xf32, #tpu.memory_space<hbm>> -> memref<1568xf32, #tpu.memory_space<hbm>>
      %dma_wait3A_48 = arith.constant 1568 : i32
      %dma_wait3A_49 = tpu.memref_slice %arg9[%dma_wait3A_48] : memref<3136xf32, #tpu.memory_space<vmem>> -> memref<1568xf32, #tpu.memory_space<vmem>>
      tpu.wait_dma2 semaphore(%arg13 : memref<!tpu.dma_semaphore, #tpu.memory_space<semaphore_mem>>) src(%dma_wait3A_49 : memref<1568xf32, #tpu.memory_space<vmem>>) dst(%dma_wait3A_47 : memref<1568xf32, #tpu.memory_space<hbm>>)
    } else {
    }
    %convert_element_type3A_14 = arith.extui %eq3A_3 : i1 to i32
    %cond3A_15 = arith.constant 0 : i32
    %cond3A_16 = arith.cmpi ne, %convert_element_type3A_14, %cond3A_15 : i32
    scf.if %cond3A_16 {
      %dma_wait3A = arith.constant 0 : i32
      %dma_wait3A_17 = tpu.memref_slice %arg7[%dma_wait3A] : memref<3136xf32, #tpu.memory_space<vmem>> -> memref<2784xf32, #tpu.memory_space<vmem>>
      %dma_wait3A_18 = tpu.memref_slice %arg2[%mul3A_2] : memref<100000xf32, #tpu.memory_space<hbm>> -> memref<2784xf32, #tpu.memory_space<hbm>>
      %dma_wait3A_19 = arith.constant 0 : i32
      %dma_wait3A_20 = tpu.memref_slice %arg7[%dma_wait3A_19] : memref<3136xf32, #tpu.memory_space<vmem>> -> memref<2784xf32, #tpu.memory_space<vmem>>
      %dma_wait3A_21 = tpu.memref_slice %arg2[%mul3A_2] : memref<100000xf32, #tpu.memory_space<hbm>> -> memref<2784xf32, #tpu.memory_space<hbm>>
      tpu.wait_dma2 semaphore(%arg12 : memref<!tpu.dma_semaphore, #tpu.memory_space<semaphore_mem>>) src(%dma_wait3A_21 : memref<2784xf32, #tpu.memory_space<hbm>>) dst(%dma_wait3A_20 : memref<2784xf32, #tpu.memory_space<vmem>>)
      %dma_wait3A_22 = arith.constant 0 : i32
      %dma_wait3A_23 = tpu.memref_slice %arg8[%dma_wait3A_22] : memref<3136xi32, #tpu.memory_space<vmem>> -> memref<2784xi32, #tpu.memory_space<vmem>>
      %dma_wait3A_24 = tpu.memref_slice %arg3[%mul3A_2] : memref<100000xi32, #tpu.memory_space<hbm>> -> memref<2784xi32, #tpu.memory_space<hbm>>
      %dma_wait3A_25 = arith.constant 0 : i32
      %dma_wait3A_26 = tpu.memref_slice %arg8[%dma_wait3A_25] : memref<3136xi32, #tpu.memory_space<vmem>> -> memref<2784xi32, #tpu.memory_space<vmem>>
      %dma_wait3A_27 = tpu.memref_slice %arg3[%mul3A_2] : memref<100000xi32, #tpu.memory_space<hbm>> -> memref<2784xi32, #tpu.memory_space<hbm>>
      tpu.wait_dma2 semaphore(%arg12 : memref<!tpu.dma_semaphore, #tpu.memory_space<semaphore_mem>>) src(%dma_wait3A_27 : memref<2784xi32, #tpu.memory_space<hbm>>) dst(%dma_wait3A_26 : memref<2784xi32, #tpu.memory_space<vmem>>)
      %parallel_loop3A = arith.constant 0 : i32
      %parallel_loop3A_28 = arith.constant 1392 : i32
      %parallel_loop3A_29 = arith.constant 16 : i32
      scf.for %parallel_loop3A_58 = %parallel_loop3A to %parallel_loop3A_28 step %parallel_loop3A_29  : i32 {
        %parallel_loop3A_59 = arith.index_cast %parallel_loop3A_58 : i32 to index
        %parallel_loop3A_60 = tpu.vector_load %arg8[%parallel_loop3A_59] {strides = array<i32>} : memref<3136xi32, #tpu.memory_space<vmem>>, vector<16xi32>,
        %parallel_loop3A_61 = arith.index_cast %parallel_loop3A_58 : i32 to index
        %parallel_loop3A_62 = tpu.vector_load %arg7[%parallel_loop3A_61] {strides = array<i32>} : memref<3136xf32, #tpu.memory_space<vmem>>, vector<16xf32>,
        %parallel_loop3A_63 = tpu.vector_load_idx %arg10[%parallel_loop3A_60] : memref<16xf32, #tpu.memory_space<vmem>>[vector<16xi32>], vector<16xf32>,
        %parallel_loop3A_64 = tpu.vector_load_idx %arg11[%parallel_loop3A_60] : memref<16xf32, #tpu.memory_space<vmem>>[vector<16xi32>], vector<16xf32>,
        %parallel_loop3A_65 = arith.mulf %parallel_loop3A_62, %parallel_loop3A_63 : vector<16xf32>
        %parallel_loop3A_66 = arith.addf %parallel_loop3A_65, %parallel_loop3A_64 : vector<16xf32>
        %parallel_loop3A_67 = arith.index_cast %parallel_loop3A_58 : i32 to index
        %parallel_loop3A_68 = tpu.vector_load %arg9[%parallel_loop3A_67] {strides = array<i32>} : memref<3136xf32, #tpu.memory_space<vmem>>, vector<16xf32>,
        tpu.vector_store %arg9[%parallel_loop3A_67], %parallel_loop3A_66 {strides = array<i32>} : memref<3136xf32, #tpu.memory_space<vmem>>, vector<16xf32>,
      } {sc.loop_unroll_factor = 8 : i64, sc.parallel_access}
      %dma_start3A = arith.constant 0 : i32
      %dma_start3A_30 = tpu.memref_slice %arg9[%dma_start3A] : memref<3136xf32, #tpu.memory_space<vmem>> -> memref<1392xf32, #tpu.memory_space<vmem>>
      %dma_start3A_31 = tpu.memref_slice %arg6[%mul3A_2] : memref<100000xf32, #tpu.memory_space<hbm>> -> memref<1392xf32, #tpu.memory_space<hbm>>
      %dma_start3A_32 = tpu.memref_slice %arg6[%mul3A_2] : memref<100000xf32, #tpu.memory_space<hbm>> -> memref<1392xf32, #tpu.memory_space<hbm>>
      %dma_start3A_33 = arith.constant 0 : i32
      %dma_start3A_34 = tpu.memref_slice %arg9[%dma_start3A_33] : memref<3136xf32, #tpu.memory_space<vmem>> -> memref<1392xf32, #tpu.memory_space<vmem>>
      tpu.enqueue_dma source(%dma_start3A_34 : memref<1392xf32, #tpu.memory_space<vmem>>) target(%dma_start3A_32 : memref<1392xf32, #tpu.memory_space<hbm>>) target_semaphore(%arg13 : memref<!tpu.dma_semaphore, #tpu.memory_space<semaphore_mem>>)
      %parallel_loop3A_35 = arith.constant 1392 : i32
      %parallel_loop3A_36 = arith.constant 2784 : i32
      %parallel_loop3A_37 = arith.constant 16 : i32
      scf.for %parallel_loop3A_58 = %parallel_loop3A_35 to %parallel_loop3A_36 step %parallel_loop3A_37  : i32 {
        %parallel_loop3A_59 = arith.index_cast %parallel_loop3A_58 : i32 to index
        %parallel_loop3A_60 = tpu.vector_load %arg8[%parallel_loop3A_59] {strides = array<i32>} : memref<3136xi32, #tpu.memory_space<vmem>>, vector<16xi32>,
        %parallel_loop3A_61 = arith.index_cast %parallel_loop3A_58 : i32 to index
        %parallel_loop3A_62 = tpu.vector_load %arg7[%parallel_loop3A_61] {strides = array<i32>} : memref<3136xf32, #tpu.memory_space<vmem>>, vector<16xf32>,
        %parallel_loop3A_63 = tpu.vector_load_idx %arg10[%parallel_loop3A_60] : memref<16xf32, #tpu.memory_space<vmem>>[vector<16xi32>], vector<16xf32>,
        %parallel_loop3A_64 = tpu.vector_load_idx %arg11[%parallel_loop3A_60] : memref<16xf32, #tpu.memory_space<vmem>>[vector<16xi32>], vector<16xf32>,
        %parallel_loop3A_65 = arith.mulf %parallel_loop3A_62, %parallel_loop3A_63 : vector<16xf32>
        %parallel_loop3A_66 = arith.addf %parallel_loop3A_65, %parallel_loop3A_64 : vector<16xf32>
        %parallel_loop3A_67 = arith.index_cast %parallel_loop3A_58 : i32 to index
        %parallel_loop3A_68 = tpu.vector_load %arg9[%parallel_loop3A_67] {strides = array<i32>} : memref<3136xf32, #tpu.memory_space<vmem>>, vector<16xf32>,
        tpu.vector_store %arg9[%parallel_loop3A_67], %parallel_loop3A_66 {strides = array<i32>} : memref<3136xf32, #tpu.memory_space<vmem>>, vector<16xf32>,
      } {sc.loop_unroll_factor = 8 : i64, sc.parallel_access}
      %add3A_38 = arith.constant 1392 : i32
      %add3A_39 = arith.addi %mul3A_2, %add3A_38 : i32
      %dma_start3A_40 = arith.constant 1392 : i32
      %dma_start3A_41 = tpu.memref_slice %arg9[%dma_start3A_40] : memref<3136xf32, #tpu.memory_space<vmem>> -> memref<1392xf32, #tpu.memory_space<vmem>>
      %dma_start3A_42 = tpu.memref_slice %arg6[%add3A_39] : memref<100000xf32, #tpu.memory_space<hbm>> -> memref<1392xf32, #tpu.memory_space<hbm>>
      %dma_start3A_43 = tpu.memref_slice %arg6[%add3A_39] : memref<100000xf32, #tpu.memory_space<hbm>> -> memref<1392xf32, #tpu.memory_space<hbm>>
      %dma_start3A_44 = arith.constant 1392 : i32
      %dma_start3A_45 = tpu.memref_slice %arg9[%dma_start3A_44] : memref<3136xf32, #tpu.memory_space<vmem>> -> memref<1392xf32, #tpu.memory_space<vmem>>
      tpu.enqueue_dma source(%dma_start3A_45 : memref<1392xf32, #tpu.memory_space<vmem>>) target(%dma_start3A_43 : memref<1392xf32, #tpu.memory_space<hbm>>) target_semaphore(%arg13 : memref<!tpu.dma_semaphore, #tpu.memory_space<semaphore_mem>>)
      %dma_wait3A_46 = arith.constant 0 : i32
      %dma_wait3A_47 = tpu.memref_slice %arg9[%dma_wait3A_46] : memref<3136xf32, #tpu.memory_space<vmem>> -> memref<1392xf32, #tpu.memory_space<vmem>>
      %dma_wait3A_48 = tpu.memref_slice %arg6[%mul3A_2] : memref<100000xf32, #tpu.memory_space<hbm>> -> memref<1392xf32, #tpu.memory_space<hbm>>
      %dma_wait3A_49 = tpu.memref_slice %arg6[%mul3A_2] : memref<100000xf32, #tpu.memory_space<hbm>> -> memref<1392xf32, #tpu.memory_space<hbm>>
      %dma_wait3A_50 = arith.constant 0 : i32
      %dma_wait3A_51 = tpu.memref_slice %arg9[%dma_wait3A_50] : memref<3136xf32, #tpu.memory_space<vmem>> -> memref<1392xf32, #tpu.memory_space<vmem>>
      tpu.wait_dma2 semaphore(%arg13 : memref<!tpu.dma_semaphore, #tpu.memory_space<semaphore_mem>>) src(%dma_wait3A_51 : memref<1392xf32, #tpu.memory_space<vmem>>) dst(%dma_wait3A_49 : memref<1392xf32, #tpu.memory_space<hbm>>)
      %dma_wait3A_52 = arith.constant 1392 : i32
      %dma_wait3A_53 = tpu.memref_slice %arg9[%dma_wait3A_52] : memref<3136xf32, #tpu.memory_space<vmem>> -> memref<1392xf32, #tpu.memory_space<vmem>>
      %dma_wait3A_54 = tpu.memref_slice %arg6[%add3A_39] : memref<100000xf32, #tpu.memory_space<hbm>> -> memref<1392xf32, #tpu.memory_space<hbm>>
      %dma_wait3A_55 = tpu.memref_slice %arg6[%add3A_39] : memref<100000xf32, #tpu.memory_space<hbm>> -> memref<1392xf32, #tpu.memory_space<hbm>>
      %dma_wait3A_56 = arith.constant 1392 : i32
      %dma_wait3A_57 = tpu.memref_slice %arg9[%dma_wait3A_56] : memref<3136xf32, #tpu.memory_space<vmem>> -> memref<1392xf32, #tpu.memory_space<vmem>>
      tpu.wait_dma2 semaphore(%arg13 : memref<!tpu.dma_semaphore, #tpu.memory_space<semaphore_mem>>) src(%dma_wait3A_57 : memref<1392xf32, #tpu.memory_space<vmem>>) dst(%dma_wait3A_55 : memref<1392xf32, #tpu.memory_space<hbm>>)
    } else {
    }
    return
  }
}

</mosaic_0001>

<sc_bundles>
// kernel: kernel.3.cloned.1.call-start
scs
__scs_entry_jumppad:
0x0: {  	(pc) =	sbr.rel $0x88, $3  }
0x1: {  	(tag) =	ssettag $0x0;
	lr =	simm.s32 $0x1  }
0x2: {  	[smem:$0x3F9D] =	sst lr;
	_ =	strace $0xD0000000  }
0x3: {  	_ = 	snop  }
0x4: {  	_ = 	snop  }
0x5: {  	_ = 	snop  }
0x6: {  	_ = 	snop  }
0x7: {  	_ = 	snop  }
__scs_overlays_trampoline_lowered:
0x8: {  	[smem:$0x3FAC] =	sst s0  }
0x9: {  	[smem:$0x3FAD] =	sst s1  }
0xa: {  	[smem:$0x3FAE] =	sst s2  }
0xb: {  	[smem:$0x3FAF] =	sst s3  }
0xc: {  	[smem:$0x3FB0] =	sst s4  }
0xd: {  	[smem:$0x3FB1] =	sst s5  }
0xe: {  	[smem:$0x3FB2] =	sst s6  }
0xf: {  	[smem:$0x3FB3] =	sst s7  }
0x10: {  	[smem:$0x3FB4] =	sst s8  }
0x11: {  	[smem:$0x3FB5] =	sst s9;
	s0 =	simm.s32 @!p0 $0x0  }
0x12: {  	s1 =	sld [smem:$0x3F9B];
	s0 =	simm.s32 @p0 $0x1  }
0x13: {  	[smem:$0x3FB6] =	sst s0;
	s0 =	simm.s32 @!p1 $0x0  }
0x14: {  	s2 =	sld [smem:$0x3F9A];
	s0 =	simm.s32 @p1 $0x1  }
0x15: {  	[smem:$0x3FB7] =	sst s0;
	s0 =	simm.s32 @!p2 $0x0  }
0x16: {  	s3 =	sld [smem:$0x3FDB];
	s0 =	simm.s32 @p2 $0x1  }
0x17: {  	s4 =	simm.s32 $0x1BF5;
	[smem:$0x3FB9] =	sst s0  }
0x18: {  	s0 =	sld [smem:$0x3F9C];
	_ =	swait.ge [sflag:s4], $0x0  }
0x19: {  	s7 =	sld [smem:$0x3F9D]  }
0x1a: {  	s8 =	sadd.s32 $0xFFFFE003, lr  }
0x1b: {  	s9 =	sadd.s32 $0xFFFFFEF7, lr;
	s5 =	simm.s32 $0xFFFFFFFF;
	p2 =	slt.u32 s8, $0xFFFFF086  }
0x1c: {  	p1 =	slt.u32 s9, $0xF7A;
	s5 =	simm.s32 @!p2 $0x0  }
0x1d: {  	s5 =	simm.s32 @p1 $0x1;
	p0 =	seq.s32 s7, s2  }
0x1e: {  	s7 =	smul.u32 @!p0 $0xF7A, s2;
	p2 =	seq.s32 @!p0 s5, $0x0  }
0x1f: {  	s9 =	smul.u32 $0xF7A, s1;
	s8 =	simm.s32 @!p0 $0x1BF5;
	p2 =	por !p2, p0  }
0x20: {  	[sflag:s8] =	ssyncset.s32 @!p0 $0xFFFFF086;
	s6 =	sadd.s32 @!p0 s3, s7;
	s7 =	simm.s32 @!p0 $0x108  }
0x21: {  	s3 =	sadd.s32 s3, s9;
	s6 =	sadd.s32 @!p0 $0x88, s6;
	s7 =	simm.s32 @p2 $0x1082  }
0x22: {  	[simem:s7], [sflag:s8] =	dma.local @!p0 [hbm:s6], $0xF7A  }
0x23: {  	s9 =	sor.u32 $0xD0000000, s2;
	s6 =	simm.s32 $0x108;
	_ =	swait.ge @!p0 [sflag:s8], $0x0  }
0x24: {  	s3 =	sadd.s32 $0x88, s3;
	s6 =	simm.s32 @!p1 $0x1082;
	[sflag:s4] =	ssyncset.s32 $0xFFFFF086  }
0x25: {  	[simem:s6], [sflag:s4] =	dma.local [hbm:s3], $0xF7A  }
0x26: {  	[smem:$0x3F9D] =	sst s1;
	(tag) =	ssettag s2;
	_ =	strace s9  }
0x27: {  	s1 =	sld [smem:$0x3FAD]  }
0x28: {  	s2 =	sld [smem:$0x3FAE]  }
0x29: {  	s4 =	sld [smem:$0x3FB0]  }
0x2a: {  	p0 =	seq.s32 s5, $0x0;
	s5 =	sld [smem:$0x3FB1]  }
0x2b: {  	s6 =	sld [smem:$0x3FB2]  }
0x2c: {  	s7 =	sld [smem:$0x3FB3]  }
0x2d: {  	s3 =	simm.s32 $0x108;
	s8 =	sld [smem:$0x3FB4]  }
0x2e: {  	s3 =	simm.s32 @!p0 $0x1082;
	s9 =	sld [smem:$0x3FB5]  }
0x2f: {  	lr =	sadd.s32 s0, s3;
	s0 =	sld [smem:$0x3FAC]  }
0x30: {  	s3 =	sld [smem:$0x3FAF]  }
0x31: {  	[smem:$0x3FB8] =	sst s10  }
0x32: {  	s10 =	sld [smem:$0x3FB6];
	_ =	sdelay $0x3  }
0x33: {  	p0 =	seq.s32 s10, $0x1;
	s10 =	sld [smem:$0x3FB8];
	_ =	sdelay $0x3  }
0x34: {  	[smem:$0x3FB8] =	sst s10  }
0x35: {  	s10 =	sld [smem:$0x3FB7];
	_ =	sdelay $0x3  }
0x36: {  	p1 =	seq.s32 s10, $0x1;
	s10 =	sld [smem:$0x3FB8];
	_ =	sdelay $0x3  }
0x37: {  	[smem:$0x3FB8] =	sst s10  }
0x38: {  	s10 =	sld [smem:$0x3FB9]  }
0x39: {  	_ = 	snop;
	(pc) =	sbr.ind lr, $3  }
0x3a: {  	_ = 	snop  }
0x3b: {  	_ = 	snop  }
0x3c: {  	p2 =	seq.s32 s10, $0x1;
	s10 =	sld [smem:$0x3FB8]  }
0x3d: {  	_ =	shalt  }
0x3e: {  	_ =	shalt  }
0x3f: {  	_ =	shalt  }
0x40: {  	_ =	shalt  }
0x41: {  	_ =	shalt  }
0x42: {  	_ =	shalt  }
0x43: {  	_ =	shalt  }
0x44: {  	_ =	shalt  }
0x45: {  	_ =	shalt  }
0x46: {  	_ =	shalt  }
0x47: {  	_ =	shalt  }
0x48: {  	_ =	shalt  }
0x49: {  	_ =	shalt  }
0x4a: {  	_ =	shalt  }
0x4b: {  	_ =	shalt  }
0x4c: {  	_ =	shalt  }
0x4d: {  	_ =	shalt  }
0x4e: {  	_ =	shalt  }
0x4f: {  	_ =	shalt  }
0x50: {  	_ =	shalt  }
0x51: {  	_ =	shalt  }
0x52: {  	_ =	shalt  }
0x53: {  	_ =	shalt  }
0x54: {  	_ =	shalt  }
0x55: {  	_ =	shalt  }
0x56: {  	_ =	shalt  }
0x57: {  	_ =	shalt  }
0x58: {  	_ =	shalt  }
0x59: {  	_ =	shalt  }
0x5a: {  	_ =	shalt  }
0x5b: {  	_ =	shalt  }
0x5c: {  	_ =	shalt  }
0x5d: {  	_ =	shalt  }
0x5e: {  	_ =	shalt  }
0x5f: {  	_ =	shalt  }
0x60: {  	_ =	shalt  }
0x61: {  	_ =	shalt  }
0x62: {  	_ =	shalt  }
0x63: {  	_ =	shalt  }
0x64: {  	_ =	shalt  }
0x65: {  	_ =	shalt  }
0x66: {  	_ =	shalt  }
0x67: {  	_ =	shalt  }
0x68: {  	_ =	shalt  }
0x69: {  	_ =	shalt  }
0x6a: {  	_ =	shalt  }
0x6b: {  	_ =	shalt  }
0x6c: {  	_ =	shalt  }
0x6d: {  	_ =	shalt  }
0x6e: {  	_ =	shalt  }
0x6f: {  	_ =	shalt  }
0x70: {  	_ =	shalt  }
0x71: {  	_ =	shalt  }
0x72: {  	_ =	shalt  }
0x73: {  	_ =	shalt  }
0x74: {  	_ =	shalt  }
0x75: {  	_ =	shalt  }
0x76: {  	_ =	shalt  }
0x77: {  	_ =	shalt  }
0x78: {  	_ =	shalt  }
0x79: {  	_ =	shalt  }
0x7a: {  	_ =	shalt  }
0x7b: {  	_ =	shalt  }
0x7c: {  	_ =	shalt  }
0x7d: {  	_ =	shalt  }
0x7e: {  	_ =	shalt  }
0x7f: {  	_ =	shalt  }
0x80: {  	_ =	shalt  }
0x81: {  	_ =	shalt  }
0x82: {  	_ =	shalt  }
0x83: {  	_ =	shalt  }
0x84: {  	_ =	shalt  }
0x85: {  	_ =	shalt  }
0x86: {  	_ =	shalt  }
0x87: {  	_ =	shalt  }
.Lfunc_end0:
.L_simem_size_0:
called_computation_lowered:
.L_overlay_start_0:
0x88: {  	s2 =	sld [smem:$0x3FD9]  }
0x89: {  	s3 =	sld [smem:$0x3FFE];
	_ =	sdelay $0x1  }
0x8a: {  	s1 =	srdreg.scid  }
0x8b: {  	s0 =	sand.u32 $0x1, s1  }
0x8c: {  	s17 =	sshll.u32 s0, $0xA;
	s2 =	sadd.s32 s3, s2  }
0x8d: {  	s2 =	sadd.s32 s2, s17  }
0x8e: {  	[smem:$0x3FC4] =	sst s2  }
0x8f: {  	_ = 	snop  }
0x90: {  	s2 =	sld [smem:$0x3FC8]  }
0x91: {  	s18 =	sld [smem:$0x3FC7]  }
0x92: {  	s4 =	sld [smem:$0x3FC6];
	(tm) =	ssettm $0x1  }
0x93: {  	s5 =	sld [smem:$0x3FFB];
	_ =	sdelay $0x3  }
0x94: {  	_ =	strace s5  }
0x95: {  	s5 =	sld [smem:$0x3FFC];
	_ =	sdelay $0x3  }
0x96: {  	_ =	strace s5  }
0x97: {  	s5 =	sld [smem:$0x3FFD];
	_ =	sdelay $0x3  }
0x98: {  	_ =	strace s5  }
0x99: {  	_ =	strace $0x8FFFFFFF  }
0x9a: {  	s19 =	sld [smem:$0x3FDB];
	_ =	sdelay $0x1  }
0x9b: {  	s6 =	simm.s32 $_scs_section_size  }
0x9c: {  	s7 =	simm.s32 $_size__tile_overlayer_lowered;
	s8 =	simm.s32 $_tile_overlayer_lowered  }
0x9d: {  	s22 =	simm.s32 $0x1BFF;
	s21 =	sshll.u32 s8, $0x1;
	s5 =	sadd.s32 s6, s19  }
0x9e: {  	s9 =	simm.s32 $0x0;
	s20 =	sshll.u32 s7, $0x1;
	s7 =	sadd.s32 s21, s5  }
0x9f: {  	[timem:s9], [sflag:s22] =	dma.local [hbm:s7], s20  }
0xa0: {  	_ =	swait.ge [sflag:s22], s20  }
0xa1: {  	s6 =	ssub.s32 $0x0, s20;
	[sflag:s22] =	ssyncset.done $0x0  }
0xa2: {  	[sflag:s22] =	ssyncadd.s32 s6;
	_ =	sdelay $0x1  }
0xa3: {  	s23 =	simm.s32 $0x1B8B  }
0xa4: {  	_ =	swait.ge [sflag:s23], $0x1  }
0xa5: {  	[sflag:s23] =	ssyncset.done $0x0  }
0xa6: {  	s25 =	simm.s32 $0x1B8E;
	s24 =	sld [smem:$0x3FFE];
	[sflag:s23] =	ssyncadd.s32 $0xFFFFFFFF  }
0xa7: {  	s26 =	simm.s32 $execute0_lowered;
	[smem:$0x3FD2] =	sst s25  }
0xa8: {  	s7 =	sshll.u32 s26, $0x1;
	_ =	strace $0x80000046;
	[dreg:$0x1] =	wrdreg $0xFFFFFFFF  }
0xa9: {  	s28 =	simm.s32 $_size_execute0_lowered;
	s5 =	sadd.s32 s5, s7;
	[dreg:$0x0] =	wrdreg $0x0  }
0xaa: {  	s7 =	sshll.u32 s28, $0x1;
	[dreg:$0x2] =	wrdreg s5  }
0xab: {  	[dreg:$0x3] =	wrdreg s7  }
0xac: {  	[dreg:$0x4] =	wrdreg $0xC0  }
0xad: {  	_ =	task [dreg:s9], $0x5FFFF  }
0xae: {  	[dreg:$0x1] =	wrdreg $0xFFFFFFFF  }
0xaf: {  	[dreg:$0x0] =	wrdreg $0x60  }
0xb0: {  	[dreg:$0x2] =	wrdreg s24  }
0xb1: {  	[dreg:$0x3] =	wrdreg s2  }
0xb2: {  	[dreg:$0x4] =	wrdreg s18  }
0xb3: {  	[dreg:$0x5] =	wrdreg s4  }
0xb4: {  	[dreg:$0x6] =	wrdreg $0x9  }
0xb5: {  	_ =	task.clear_ibuf [dreg:s9], $0x7FFFF;
	_ =	strace $0x90000046  }
0xb6: {  	s29 =	simm.s32 $0x9;
	_ =	strace $0x80000048  }
0xb7: {  	_ =	swait.ge [sflag:s29], $0x1  }
0xb8: {  	[sflag:s29] =	ssyncadd.s32 $0xFFFFFFFF  }
0xb9: {  	_ =	strace $0x90000048  }
0xba: {  	_ =	sfence  }
0xbb: {  	s30 =	sld [smem:$0x0];
	_ =	sdelay $0x2  }
0xbc: {  	s31 =	sshll.u32 s1, $0xD;
	s1 =	sshrl.u32 s1, $0x2  }
0xbd: {  	s3 =	sand.u32 $0x4000, s31;
	s1 =	sadd.s32 s1, s30  }
0xbe: {  	s0 =	sor.u32 s3, s0;
	s1 =	sshll.u32 s1, $0x11  }
0xbf: {  	s0 =	sor.u32 s1, s0  }
0xc0: {  	s0 =	sadd.s32 $0x8F2B, s0  }
0xc1: {  	[sflag:s0] =	ssyncadd.remote.s32 $0x1  }
0xc2: {  	_ =	sfence.sel $0xFFFF  }
0xc3: {  	[dreg:$0x0] =	wrdreg $0xFFFFFFFF;
	(pc) =	sbr.abs _section_cstart, $3  }
0xc4: {  	[dreg:$0x1] =	wrdreg $0xFFFFFFFF  }
0xc5: {  	_ =	task.clear_ibuf [dreg:s9], $0x2FFFF;
	_ =	strace $0x9FFFFFFF  }
0xc6: {  	(tm) =	ssettm $0x7FFFFFFF  }
0xc7: {  	_ =	shalt  }
tec
execute0_lowered:
.L_overlay_start_1:
0x0: {  	(tag) =	ssettag $0x1  }
0x1: {  	s12 =	rddreg [dreg:$0x0]  }
0x2: {  	s8 =	rddreg [dreg:$0x1]  }
0x3: {  	s2 =	rddreg [dreg:$0x2];
	s1 =	srdreg.scid  }
0x4: {  	s0 =	stileid.u32;
	s3 =	rddreg [dreg:$0x3];
	s15 =	simm.s32 $0x2600  }
0x5: {  	s16 =	simm.s32 $0x1;
	s17 =	simm.s32 $0x1900;
	s18 =	simm.s32 $0x1E70  }
0x6: {  	s19 =	simm.s32 $0x2;
	s20 =	simm.s32 $0x1F20;
	s21 =	simm.s32 $0x0  }
0x7: {  	s5 =	sand.u32 $0x1, s1;
	s4 =	sshll.u32 s0, $0x1;
	s1 =	rddreg [dreg:$0x4]  }
0x8: {  	s11 =	sadd.s32 $0x6178, s12;
	s14 =	sor.u32 s5, s4;
	s4 =	simm.s32 $0x0  }
0x9: {  	s5 =	ssub.s32 $0x2, s5;
	s6 =	smul.u32 $0xC40, s14;
	[smem:$0x7FF] =	sst s4  }
.Ltmp0:
0xa: {  	s7 =	sshrl.u32 s5, $0x1;
	p0 =	seq.s32 s14, $0x1F;
	(pc) =	sbr.rel .LBB2_1-.Ltmp0, $4  }
0xb: {  	s14 =	simm.s32 $0x2580;
	_ =	strace $0x80000047;
	s13 =	ssub.s32 s5, s7  }
0xc: {  	s7 =	sadd.s32 $0x2F78, s12;
	s6 =	sshrl.u32 s6, $0x3;
	s13 =	smax.u32 s13, $0x1  }
0xd: {  	s5 =	sadd.s32 s12, s6;
	s6 =	sadd.s32 s8, s6;
	s8 =	sadd.s32 $0x2F78, s8  }
0xe: {  	s12 =	sadd.s32 $0x6226, s12;
	s9 =	sadd.s32 $0x3200, s5;
	s10 =	sadd.s32 $0x32C4, s5  }
.LBB2_20:
0xf: {  	s21 =	sadd.s32 $0x1, s21  }
0x10: {  	p1 =	sne.s32 s21, s13  }
.Ltmp1:
0x11: {  	_ = 	snop;
	(pc) =	sbr.rel @!p1 .LBB2_21-.Ltmp1, $1  }
0x12: {  	_ =	sdelay $0x3  }
.LBB2_1:
0x13: {  	s22 =	simm.s32 @p0 $0x0  }
0x14: {  	[tilespmem:s22], [sflag:$0x1] =	stream.linear.gather @p0 [hbm4b:s7+s22], $0xAE0, $0x38;
	[tilespmem:$0x2680] =	vst v63  }
0x15: {  	s23 =	simm.s32 @p0 $0xC80  }
0x16: {  	[tilespmem:s23], [sflag:$0x1] =	stream.linear.gather @p0 [hbm4b:s8+s22], $0xAE0, $0x38;
	[tilespmem:$0x2680] =	vst v63  }
0x17: {  	s22 =	simm.s32 @!p0 $0x0  }
0x18: {  	[tilespmem:s22], [sflag:$0x1] =	stream.linear.gather @!p0 [hbm4b:s5+s22], $0xC40, $0x38;
	[tilespmem:$0x2680] =	vst v63  }
0x19: {  	s23 =	simm.s32 @!p0 $0xC80  }
0x1a: {  	[tilespmem:s23], [sflag:$0x1] =	stream.linear.gather @!p0 [hbm4b:s6+s22], $0xC40, $0x38;
	[tilespmem:$0x2680] =	vst v63  }
0x1b: {  	_ = 	snop  }
0x1c: {  	[tilespmem:s14], [sflag:$0x1] =	stream.linear.gather [hbm4b:s2+s4], $0x80, $0x38;
	[tilespmem:$0x2680] =	vst v63  }
0x1d: {  	_ = 	snop  }
0x1e: {  	[tilespmem:s15], [sflag:$0x1] =	stream.linear.gather [hbm4b:s3+s4], $0x80, $0x38;
	[tilespmem:$0x2680] =	vst v63  }
0x1f: {  	_ =	swait.ge [sflag:s16], $0x80  }
.Ltmp2:
0x20: {  	[sflag:s16] =	ssyncset.done $0x0;
	(pc) =	sbr.rel @!p0 .LBB2_2-.Ltmp2, $4  }
0x21: {  	[sflag:s16] =	ssyncadd.s32 $0xFFFFFF80  }
0x22: {  	_ =	swait.ge [sflag:s16], $0x80  }
0x23: {  	[sflag:s16] =	ssyncset.done $0x0  }
0x24: {  	[sflag:s16] =	ssyncadd.s32 $0xFFFFFF80  }
0x25: {  	_ =	swait.ge [sflag:s16], $0xAE0  }
0x26: {  	[sflag:s16] =	ssyncset.done $0x0  }
0x27: {  	[sflag:s16] =	ssyncadd.s32 $0xFFFFF520  }
0x28: {  	_ =	swait.ge [sflag:s16], $0xAE0  }
0x29: {  	[sflag:s16] =	ssyncset.done $0x0  }
0x2a: {  	s22 =	simm.s32 $0xCC0;
	[sflag:s16] =	ssyncadd.s32 $0xFFFFF520  }
0x2b: {  	v0 =	vld [tilespmem:s22+$0x30]  }
0x2c: {  	v1 =	vld [tilespmem:s22+$0xFFFFFFD0]  }
0x2d: {  	v2 =	vld [tilespmem:s22+$0xFFFFFFE0]  }
0x2e: {  	v3 =	vld [tilespmem:s22+$0xFFFFFFF0]  }
0x2f: {  	v4 =	vld [tilespmem:s22+$0x0]  }
0x30: {  	v8 =	vld [tilespmem:s22+$0x10]  }
0x31: {  	v11 =	vld [tilespmem:s22+$0x20]  }
0x32: {  	v5 =	vld [tilespmem:s22+$0xFFFFFFC0];
	s22 =	simm.s32 $0x40  }
0x33: {  	v7 =	vld [tilespmem:s22+$0x30]  }
0x34: {  	v17 =	vld [tilespmem:s22+$0xFFFFFFC0]  }
0x35: {  	v18 =	vld [tilespmem:s22+$0xFFFFFFD0]  }
0x36: {  	v19 =	vld [tilespmem:s22+$0xFFFFFFE0]  }
0x37: {  	v20 =	vld [tilespmem:s22+$0xFFFFFFF0]  }
0x38: {  	v21 =	vld [tilespmem:s22+$0x0]  }
0x39: {  	v22 =	vld [tilespmem:s22+$0x10]  }
0x3a: {  	v23 =	vld [tilespmem:s22+$0x20]  }
0x3b: {  	v6 =	vld.idx.msk [tilespmem:v0+s14+$0x0], $0xffff  }
0x3c: {  	v0 =	vld.idx.msk [tilespmem:v0+s15+$0x0], $0xffff  }
0x3d: {  	v9 =	vld.idx.msk [tilespmem:v1+s14+$0x0], $0xffff  }
0x3e: {  	v10 =	vld.idx.msk [tilespmem:v2+s14+$0x0], $0xffff  }
0x3f: {  	v12 =	vld.idx.msk [tilespmem:v3+s14+$0x0], $0xffff  }
0x40: {  	v13 =	vld.idx.msk [tilespmem:v4+s14+$0x0], $0xffff  }
0x41: {  	v14 =	vld.idx.msk [tilespmem:v5+s14+$0x0], $0xffff  }
0x42: {  	v15 =	vld.idx.msk [tilespmem:v8+s14+$0x0], $0xffff  }
0x43: {  	v16 =	vld.idx.msk [tilespmem:v11+s14+$0x0], $0xffff  }
0x44: {  	v24 =	vld.idx.msk [tilespmem:v5+s15+$0x0], $0xffff  }
0x45: {  	v11 =	vld.idx.msk [tilespmem:v11+s15+$0x0], $0xffff  }
0x46: {  	v5 =	vmul.f32 v6, v7;
	v7 =	vld.idx.msk [tilespmem:v1+s15+$0x0], $0xffff  }
0x47: {  	v1 =	vld.idx.msk [tilespmem:v2+s15+$0x0], $0xffff  }
0x48: {  	v14 =	vmul.f32 v14, v17;
	v2 =	vld.idx.msk [tilespmem:v3+s15+$0x0], $0xffff  }
0x49: {  	s28 =	simm.s32 $0x1940;
	v3 =	vld.idx.msk [tilespmem:v4+s15+$0x0], $0xffff;
	v4 =	vmul.f32 v16, v23;
	v6 =	vadd.f32 v0, v5;
	v5 =	vmul.f32 v9, v18  }
0x4a: {  	s29 =	simm.s32 $0x0;
	s23 =	simm.s32 $0x1180;
	s24 =	simm.s32 $0x4F0;
	v0 =	vmul.f32 v10, v19;
	v9 =	vmul.f32 v12, v20;
	v10 =	vld.idx.msk [tilespmem:v8+s15+$0x0], $0xffff  }
0x4b: {  	s25 =	simm.s32 $0x1E00;
	s26 =	simm.s32 $0x500;
	s30 =	simm.s32 $0xD40;
	v8 =	vmul.f32 v15, v22;
	v12 =	vadd.f32 v24, v14;
	[tilespmem:s28+$0x30] =	vst v6;
	v6 =	vmul.f32 v13, v21  }
.LBB2_12:
0x4c: {  	v13 =	vld [tilespmem:s30+$0x30];
	s29 =	sadd.s32 $0x80, s29;
	v5 =	vadd.f32 v7, v5  }
0x4d: {  	v0 =	vadd.f32 v1, v0;
	v7 =	vld [tilespmem:s30+$0xFFFFFFD0];
	p1 =	slt.u32 s29, $0x480;
	[tilespmem:s28+$0xFFFFFFC0] =	vst v12  }
0x4e: {  	v2 =	vadd.f32 v2, v9;
	v1 =	vld [tilespmem:s30+$0xFFFFFFE0];
	[tilespmem:s28+$0xFFFFFFD0] =	vst v5  }
0x4f: {  	v12 =	vld [tilespmem:s30+$0xFFFFFFF0];
	[tilespmem:s28+$0xFFFFFFE0] =	vst v0;
	v0 =	vadd.f32 v3, v6  }
0x50: {  	v3 =	vld [tilespmem:s30+$0x0];
	[tilespmem:s28+$0xFFFFFFF0] =	vst v2;
	v2 =	vadd.f32 v10, v8  }
0x51: {  	v10 =	vld [tilespmem:s30+$0x10];
	[tilespmem:s28+$0x0] =	vst v0;
	v0 =	vadd.f32 v11, v4  }
0x52: {  	v11 =	vld [tilespmem:s30+$0x20];
	[tilespmem:s28+$0x10] =	vst v2  }
0x53: {  	v2 =	vld [tilespmem:s30+$0xFFFFFFC0];
	[tilespmem:s28+$0x20] =	vst v0  }
0x54: {  	s22 =	sadd.s32 $0x80, s22;
	v0 =	vld.idx.msk [tilespmem:v13+s14+$0x0], $0xffff  }
0x55: {  	v4 =	vld [tilespmem:s22+$0x30]  }
0x56: {  	v5 =	vld.idx.msk [tilespmem:v13+s15+$0x0], $0xffff  }
0x57: {  	v6 =	vld.idx.msk [tilespmem:v7+s14+$0x0], $0xffff  }
0x58: {  	v8 =	vld.idx.msk [tilespmem:v1+s14+$0x0], $0xffff  }
0x59: {  	v9 =	vld.idx.msk [tilespmem:v12+s14+$0x0], $0xffff  }
0x5a: {  	v13 =	vld.idx.msk [tilespmem:v3+s14+$0x0], $0xffff;
	v0 =	vmul.f32 v0, v4  }
0x5b: {  	v4 =	vld.idx.msk [tilespmem:v2+s14+$0x0], $0xffff  }
0x5c: {  	v14 =	vld.idx.msk [tilespmem:v10+s14+$0x0], $0xffff;
	v0 =	vadd.f32 v5, v0  }
0x5d: {  	s28 =	sadd.s32 $0x80, s28;
	v15 =	vld.idx.msk [tilespmem:v11+s14+$0x0], $0xffff  }
0x5e: {  	v5 =	vld [tilespmem:s22+$0xFFFFFFC0];
	[tilespmem:s28+$0x30] =	vst v0  }
0x5f: {  	v0 =	vld [tilespmem:s22+$0xFFFFFFD0]  }
0x60: {  	v16 =	vld [tilespmem:s22+$0xFFFFFFE0]  }
0x61: {  	v17 =	vld [tilespmem:s22+$0xFFFFFFF0]  }
0x62: {  	v18 =	vld [tilespmem:s22+$0x0]  }
0x63: {  	v19 =	vmul.f32 v4, v5;
	v4 =	vld [tilespmem:s22+$0x10]  }
0x64: {  	v5 =	vmul.f32 v6, v0;
	v20 =	vld [tilespmem:s22+$0x20]  }
0x65: {  	v21 =	vld.idx.msk [tilespmem:v2+s15+$0x0], $0xffff;
	v0 =	vmul.f32 v8, v16  }
0x66: {  	v7 =	vld.idx.msk [tilespmem:v7+s15+$0x0], $0xffff;
	v9 =	vmul.f32 v9, v17  }
.Ltmp3:
0x67: {  	v1 =	vld.idx.msk [tilespmem:v1+s15+$0x0], $0xffff;
	v6 =	vmul.f32 v13, v18;
	(pc) =	sbr.rel @p1 .LBB2_12-.Ltmp3, $4  }
0x68: {  	v2 =	vld.idx.msk [tilespmem:v12+s15+$0x0], $0xffff;
	v8 =	vmul.f32 v14, v4  }
0x69: {  	v3 =	vld.idx.msk [tilespmem:v3+s15+$0x0], $0xffff;
	v4 =	vmul.f32 v15, v20  }
0x6a: {  	v10 =	vld.idx.msk [tilespmem:v10+s15+$0x0], $0xffff  }
0x6b: {  	s30 =	sadd.s32 $0x80, s30;
	v12 =	vadd.f32 v21, v19;
	v11 =	vld.idx.msk [tilespmem:v11+s15+$0x0], $0xffff  }
0x6c: {  	v5 =	vadd.f32 v7, v5  }
0x6d: {  	v0 =	vadd.f32 v1, v0;
	[tilespmem:s28+$0xFFFFFFC0] =	vst v12  }
0x6e: {  	v60 =	vadd.f32 v2, v9;
	[tilespmem:s28+$0xFFFFFFD0] =	vst v5  }
0x6f: {  	[tilespmem:s28+$0xFFFFFFE0] =	vst v0;
	v61 =	vadd.f32 v3, v6  }
0x70: {  	[tilespmem:s28+$0xFFFFFFF0] =	vst v60;
	v62 =	vadd.f32 v10, v8  }
0x71: {  	[tilespmem:s28+$0x0] =	vst v61;
	v63 =	vadd.f32 v11, v4  }
0x72: {  	[tilespmem:s28+$0x10] =	vst v62  }
0x73: {  	[tilespmem:s28+$0x20] =	vst v63  }
.LBB2_14:
0x74: {  	v0 =	vld [tilespmem:s23+$0x0];
	_ =	sdelay $0x6  }
0x75: {  	v1 =	vld [tilespmem:s26+$0x0]  }
0x76: {  	v2 =	vld.idx.msk [tilespmem:v0+s14+$0x0], $0xffff;
	_ =	sdelay $0x1  }
0x77: {  	v0 =	vld.idx.msk [tilespmem:v0+s15+$0x0], $0xffff  }
0x78: {  	s24 =	sadd.s32 $0x10, s24  }
0x79: {  	p1 =	slt.u32 s24, $0x560  }
.Ltmp4:
0x7a: {  	v1 =	vmul.f32 v2, v1;
	(pc) =	sbr.rel @p1 .LBB2_14-.Ltmp4, $3  }
0x7b: {  	_ = 	snop  }
0x7c: {  	v0 =	vadd.f32 v0, v1;
	_ =	sdelay $0x1  }
0x7d: {  	s26 =	sadd.s32 $0x10, s26;
	s23 =	sadd.s32 $0x10, s23;
	[tilespmem:s25+$0x0] =	vst v0;
	s25 =	sadd.s32 $0x10, s25  }
0x7e: {  	[hbm4b:s11+s4] =	stream.linear.scatter [tilespmem:s17], [sflag:$0x2], $0x570, $0x38;
	[tilespmem:$0x2680] =	vst v63  }
0x7f: {  	s22 =	simm.s32 $0x1260  }
0x80: {  	v0 =	vld [tilespmem:s22+$0x0]  }
0x81: {  	v1 =	vld [tilespmem:s22+$0xFFFFFFA0]  }
0x82: {  	v2 =	vld [tilespmem:s22+$0xFFFFFFB0]  }
0x83: {  	v3 =	vld [tilespmem:s22+$0xFFFFFFC0]  }
0x84: {  	v4 =	vld [tilespmem:s22+$0xFFFFFFD0]  }
0x85: {  	v8 =	vld [tilespmem:s22+$0xFFFFFFE0]  }
0x86: {  	v11 =	vld [tilespmem:s22+$0xFFFFFFF0]  }
0x87: {  	v5 =	vld [tilespmem:s22+$0xFFFFFF90];
	s22 =	simm.s32 $0x5E0  }
0x88: {  	v7 =	vld [tilespmem:s22+$0x0]  }
0x89: {  	v17 =	vld [tilespmem:s22+$0xFFFFFF90]  }
0x8a: {  	v18 =	vld [tilespmem:s22+$0xFFFFFFA0]  }
0x8b: {  	v19 =	vld [tilespmem:s22+$0xFFFFFFB0]  }
0x8c: {  	v20 =	vld [tilespmem:s22+$0xFFFFFFC0]  }
0x8d: {  	v21 =	vld [tilespmem:s22+$0xFFFFFFD0]  }
0x8e: {  	v22 =	vld [tilespmem:s22+$0xFFFFFFE0]  }
0x8f: {  	v23 =	vld [tilespmem:s22+$0xFFFFFFF0]  }
0x90: {  	v6 =	vld.idx.msk [tilespmem:v0+s14+$0x0], $0xffff  }
0x91: {  	v0 =	vld.idx.msk [tilespmem:v0+s15+$0x0], $0xffff  }
0x92: {  	v9 =	vld.idx.msk [tilespmem:v1+s14+$0x0], $0xffff  }
0x93: {  	v10 =	vld.idx.msk [tilespmem:v2+s14+$0x0], $0xffff  }
0x94: {  	v12 =	vld.idx.msk [tilespmem:v3+s14+$0x0], $0xffff  }
0x95: {  	v13 =	vld.idx.msk [tilespmem:v4+s14+$0x0], $0xffff  }
0x96: {  	v14 =	vld.idx.msk [tilespmem:v5+s14+$0x0], $0xffff  }
0x97: {  	v15 =	vld.idx.msk [tilespmem:v8+s14+$0x0], $0xffff  }
0x98: {  	v16 =	vld.idx.msk [tilespmem:v11+s14+$0x0], $0xffff  }
0x99: {  	v24 =	vld.idx.msk [tilespmem:v5+s15+$0x0], $0xffff  }
0x9a: {  	v11 =	vld.idx.msk [tilespmem:v11+s15+$0x0], $0xffff  }
0x9b: {  	v5 =	vmul.f32 v6, v7;
	v7 =	vld.idx.msk [tilespmem:v1+s15+$0x0], $0xffff  }
0x9c: {  	v1 =	vld.idx.msk [tilespmem:v2+s15+$0x0], $0xffff  }
0x9d: {  	v14 =	vmul.f32 v14, v17;
	v2 =	vld.idx.msk [tilespmem:v3+s15+$0x0], $0xffff  }
0x9e: {  	s28 =	simm.s32 $0x1EE0;
	v3 =	vld.idx.msk [tilespmem:v4+s15+$0x0], $0xffff;
	v4 =	vmul.f32 v16, v23;
	v6 =	vadd.f32 v0, v5;
	v5 =	vmul.f32 v9, v18  }
0x9f: {  	s29 =	simm.s32 $0x570;
	s23 =	simm.s32 $0x16F0;
	s24 =	simm.s32 $0xA60;
	v0 =	vmul.f32 v10, v19;
	v9 =	vmul.f32 v12, v20;
	v10 =	vld.idx.msk [tilespmem:v8+s15+$0x0], $0xffff  }
0xa0: {  	s25 =	simm.s32 $0x2370;
	s26 =	simm.s32 $0xA70;
	s30 =	simm.s32 $0x12E0;
	v8 =	vmul.f32 v15, v22;
	v12 =	vadd.f32 v24, v14;
	[tilespmem:s28+$0x0] =	vst v6;
	v6 =	vmul.f32 v13, v21  }
.LBB2_16:
0xa1: {  	v13 =	vld [tilespmem:s30+$0x0];
	s29 =	sadd.s32 $0x80, s29;
	v5 =	vadd.f32 v7, v5  }
0xa2: {  	v0 =	vadd.f32 v1, v0;
	v7 =	vld [tilespmem:s30+$0xFFFFFFA0];
	p1 =	slt.u32 s29, $0x9F0;
	[tilespmem:s28+$0xFFFFFF90] =	vst v12  }
0xa3: {  	v2 =	vadd.f32 v2, v9;
	v1 =	vld [tilespmem:s30+$0xFFFFFFB0];
	[tilespmem:s28+$0xFFFFFFA0] =	vst v5  }
0xa4: {  	v12 =	vld [tilespmem:s30+$0xFFFFFFC0];
	[tilespmem:s28+$0xFFFFFFB0] =	vst v0;
	v0 =	vadd.f32 v3, v6  }
0xa5: {  	v3 =	vld [tilespmem:s30+$0xFFFFFFD0];
	[tilespmem:s28+$0xFFFFFFC0] =	vst v2;
	v2 =	vadd.f32 v10, v8  }
0xa6: {  	v10 =	vld [tilespmem:s30+$0xFFFFFFE0];
	[tilespmem:s28+$0xFFFFFFD0] =	vst v0;
	v0 =	vadd.f32 v11, v4  }
0xa7: {  	v11 =	vld [tilespmem:s30+$0xFFFFFFF0];
	[tilespmem:s28+$0xFFFFFFE0] =	vst v2  }
0xa8: {  	v2 =	vld [tilespmem:s30+$0xFFFFFF90];
	[tilespmem:s28+$0xFFFFFFF0] =	vst v0  }
0xa9: {  	s22 =	sadd.s32 $0x80, s22;
	v0 =	vld.idx.msk [tilespmem:v13+s14+$0x0], $0xffff  }
0xaa: {  	v4 =	vld [tilespmem:s22+$0x0]  }
0xab: {  	v5 =	vld.idx.msk [tilespmem:v13+s15+$0x0], $0xffff  }
0xac: {  	v6 =	vld.idx.msk [tilespmem:v7+s14+$0x0], $0xffff  }
0xad: {  	v8 =	vld.idx.msk [tilespmem:v1+s14+$0x0], $0xffff  }
0xae: {  	v9 =	vld.idx.msk [tilespmem:v12+s14+$0x0], $0xffff  }
0xaf: {  	v13 =	vld.idx.msk [tilespmem:v3+s14+$0x0], $0xffff;
	v0 =	vmul.f32 v0, v4  }
0xb0: {  	v4 =	vld.idx.msk [tilespmem:v2+s14+$0x0], $0xffff  }
0xb1: {  	v14 =	vld.idx.msk [tilespmem:v10+s14+$0x0], $0xffff;
	v0 =	vadd.f32 v5, v0  }
0xb2: {  	s28 =	sadd.s32 $0x80, s28;
	v15 =	vld.idx.msk [tilespmem:v11+s14+$0x0], $0xffff  }
0xb3: {  	v5 =	vld [tilespmem:s22+$0xFFFFFF90];
	[tilespmem:s28+$0x0] =	vst v0  }
0xb4: {  	v0 =	vld [tilespmem:s22+$0xFFFFFFA0]  }
0xb5: {  	v16 =	vld [tilespmem:s22+$0xFFFFFFB0]  }
0xb6: {  	v17 =	vld [tilespmem:s22+$0xFFFFFFC0]  }
0xb7: {  	v18 =	vld [tilespmem:s22+$0xFFFFFFD0]  }
0xb8: {  	v19 =	vmul.f32 v4, v5;
	v4 =	vld [tilespmem:s22+$0xFFFFFFE0]  }
0xb9: {  	v5 =	vmul.f32 v6, v0;
	v20 =	vld [tilespmem:s22+$0xFFFFFFF0]  }
0xba: {  	v21 =	vld.idx.msk [tilespmem:v2+s15+$0x0], $0xffff;
	v0 =	vmul.f32 v8, v16  }
0xbb: {  	v7 =	vld.idx.msk [tilespmem:v7+s15+$0x0], $0xffff;
	v9 =	vmul.f32 v9, v17  }
.Ltmp5:
0xbc: {  	v1 =	vld.idx.msk [tilespmem:v1+s15+$0x0], $0xffff;
	v6 =	vmul.f32 v13, v18;
	(pc) =	sbr.rel @p1 .LBB2_16-.Ltmp5, $4  }
0xbd: {  	v2 =	vld.idx.msk [tilespmem:v12+s15+$0x0], $0xffff;
	v8 =	vmul.f32 v14, v4  }
0xbe: {  	v3 =	vld.idx.msk [tilespmem:v3+s15+$0x0], $0xffff;
	v4 =	vmul.f32 v15, v20  }
0xbf: {  	v10 =	vld.idx.msk [tilespmem:v10+s15+$0x0], $0xffff  }
0xc0: {  	s30 =	sadd.s32 $0x80, s30;
	v12 =	vadd.f32 v21, v19;
	v11 =	vld.idx.msk [tilespmem:v11+s15+$0x0], $0xffff  }
0xc1: {  	v5 =	vadd.f32 v7, v5  }
0xc2: {  	v0 =	vadd.f32 v1, v0;
	[tilespmem:s28+$0xFFFFFF90] =	vst v12  }
0xc3: {  	v60 =	vadd.f32 v2, v9;
	[tilespmem:s28+$0xFFFFFFA0] =	vst v5  }
0xc4: {  	[tilespmem:s28+$0xFFFFFFB0] =	vst v0;
	v61 =	vadd.f32 v3, v6  }
0xc5: {  	[tilespmem:s28+$0xFFFFFFC0] =	vst v60;
	v62 =	vadd.f32 v10, v8  }
0xc6: {  	[tilespmem:s28+$0xFFFFFFD0] =	vst v61;
	v63 =	vadd.f32 v11, v4  }
0xc7: {  	[tilespmem:s28+$0xFFFFFFE0] =	vst v62  }
0xc8: {  	[tilespmem:s28+$0xFFFFFFF0] =	vst v63  }
.LBB2_18:
0xc9: {  	v0 =	vld [tilespmem:s23+$0x0];
	_ =	sdelay $0x6  }
0xca: {  	v1 =	vld [tilespmem:s26+$0x0]  }
0xcb: {  	v2 =	vld.idx.msk [tilespmem:v0+s14+$0x0], $0xffff;
	_ =	sdelay $0x1  }
0xcc: {  	v0 =	vld.idx.msk [tilespmem:v0+s15+$0x0], $0xffff  }
0xcd: {  	s24 =	sadd.s32 $0x10, s24  }
0xce: {  	p1 =	slt.u32 s24, $0xAD0  }
.Ltmp6:
0xcf: {  	v1 =	vmul.f32 v2, v1;
	(pc) =	sbr.rel @p1 .LBB2_18-.Ltmp6, $3  }
0xd0: {  	_ = 	snop  }
0xd1: {  	v0 =	vadd.f32 v0, v1;
	_ =	sdelay $0x1  }
0xd2: {  	s26 =	sadd.s32 $0x10, s26;
	s23 =	sadd.s32 $0x10, s23;
	[tilespmem:s25+$0x0] =	vst v0;
	s25 =	sadd.s32 $0x10, s25  }
0xd3: {  	[hbm4b:s12+s4] =	stream.linear.scatter [tilespmem:s18], [sflag:$0x2], $0x570, $0x38;
	[tilespmem:$0x2680] =	vst v63  }
0xd4: {  	_ =	swait.ge [sflag:s19], $0x570  }
.Ltmp7:
0xd5: {  	[sflag:s19] =	ssyncset.done $0x0;
	(pc) =	sbr.rel .LBB2_20-.Ltmp7, $4  }
0xd6: {  	[sflag:s19] =	ssyncadd.s32 $0xFFFFFA90  }
0xd7: {  	_ =	swait.ge [sflag:s19], $0x570  }
0xd8: {  	[sflag:s19] =	ssyncset.done $0x0  }
0xd9: {  	[sflag:s19] =	ssyncadd.s32 $0xFFFFFA90  }
.LBB2_2:
0xda: {  	_ =	swait.ge [sflag:s16], $0xC40  }
0xdb: {  	[sflag:s16] =	ssyncset.done $0x0  }
0xdc: {  	[sflag:s16] =	ssyncadd.s32 $0xFFFFF3C0  }
0xdd: {  	_ =	swait.ge [sflag:s16], $0xC40  }
0xde: {  	[sflag:s16] =	ssyncset.done $0x0  }
0xdf: {  	s22 =	simm.s32 $0xCC0;
	[sflag:s16] =	ssyncadd.s32 $0xFFFFF3C0  }
0xe0: {  	v0 =	vld [tilespmem:s22+$0x30]  }
0xe1: {  	v1 =	vld [tilespmem:s22+$0xFFFFFFD0]  }
0xe2: {  	v2 =	vld [tilespmem:s22+$0xFFFFFFE0]  }
0xe3: {  	v3 =	vld [tilespmem:s22+$0xFFFFFFF0]  }
0xe4: {  	v4 =	vld [tilespmem:s22+$0x0]  }
0xe5: {  	v8 =	vld [tilespmem:s22+$0x10]  }
0xe6: {  	v11 =	vld [tilespmem:s22+$0x20]  }
0xe7: {  	v5 =	vld [tilespmem:s22+$0xFFFFFFC0];
	s22 =	simm.s32 $0x40  }
0xe8: {  	v7 =	vld [tilespmem:s22+$0x30]  }
0xe9: {  	v17 =	vld [tilespmem:s22+$0xFFFFFFC0]  }
0xea: {  	v18 =	vld [tilespmem:s22+$0xFFFFFFD0]  }
0xeb: {  	v19 =	vld [tilespmem:s22+$0xFFFFFFE0]  }
0xec: {  	v20 =	vld [tilespmem:s22+$0xFFFFFFF0]  }
0xed: {  	v21 =	vld [tilespmem:s22+$0x0]  }
0xee: {  	v22 =	vld [tilespmem:s22+$0x10]  }
0xef: {  	v23 =	vld [tilespmem:s22+$0x20]  }
0xf0: {  	v6 =	vld.idx.msk [tilespmem:v0+s14+$0x0], $0xffff  }
0xf1: {  	v0 =	vld.idx.msk [tilespmem:v0+s15+$0x0], $0xffff  }
0xf2: {  	v9 =	vld.idx.msk [tilespmem:v1+s14+$0x0], $0xffff  }
0xf3: {  	v10 =	vld.idx.msk [tilespmem:v2+s14+$0x0], $0xffff  }
0xf4: {  	v12 =	vld.idx.msk [tilespmem:v3+s14+$0x0], $0xffff  }
0xf5: {  	v13 =	vld.idx.msk [tilespmem:v4+s14+$0x0], $0xffff  }
0xf6: {  	v14 =	vld.idx.msk [tilespmem:v5+s14+$0x0], $0xffff  }
0xf7: {  	v15 =	vld.idx.msk [tilespmem:v8+s14+$0x0], $0xffff  }
0xf8: {  	v16 =	vld.idx.msk [tilespmem:v11+s14+$0x0], $0xffff  }
0xf9: {  	v24 =	vld.idx.msk [tilespmem:v5+s15+$0x0], $0xffff  }
0xfa: {  	v11 =	vld.idx.msk [tilespmem:v11+s15+$0x0], $0xffff  }
0xfb: {  	v5 =	vmul.f32 v6, v7;
	v7 =	vld.idx.msk [tilespmem:v1+s15+$0x0], $0xffff  }
0xfc: {  	v1 =	vld.idx.msk [tilespmem:v2+s15+$0x0], $0xffff  }
0xfd: {  	v14 =	vmul.f32 v14, v17;
	v2 =	vld.idx.msk [tilespmem:v3+s15+$0x0], $0xffff  }
0xfe: {  	s28 =	simm.s32 $0x1940;
	v3 =	vld.idx.msk [tilespmem:v4+s15+$0x0], $0xffff;
	v4 =	vmul.f32 v16, v23;
	v6 =	vadd.f32 v0, v5;
	v5 =	vmul.f32 v9, v18  }
0xff: {  	s29 =	simm.s32 $0x0;
	s23 =	simm.s32 $0x1280;
	s24 =	simm.s32 $0x5F0;
	v0 =	vmul.f32 v10, v19;
	v9 =	vmul.f32 v12, v20;
	v10 =	vld.idx.msk [tilespmem:v8+s15+$0x0], $0xffff  }
0x100: {  	s25 =	simm.s32 $0x1F00;
	s26 =	simm.s32 $0x600;
	s30 =	simm.s32 $0xD40;
	v8 =	vmul.f32 v15, v22;
	v12 =	vadd.f32 v24, v14;
	[tilespmem:s28+$0x30] =	vst v6;
	v6 =	vmul.f32 v13, v21  }
.LBB2_3:
0x101: {  	v13 =	vld [tilespmem:s30+$0x30];
	s29 =	sadd.s32 $0x80, s29;
	v5 =	vadd.f32 v7, v5  }
0x102: {  	v0 =	vadd.f32 v1, v0;
	v7 =	vld [tilespmem:s30+$0xFFFFFFD0];
	p1 =	slt.u32 s29, $0x580;
	[tilespmem:s28+$0xFFFFFFC0] =	vst v12  }
0x103: {  	v2 =	vadd.f32 v2, v9;
	v1 =	vld [tilespmem:s30+$0xFFFFFFE0];
	[tilespmem:s28+$0xFFFFFFD0] =	vst v5  }
0x104: {  	v12 =	vld [tilespmem:s30+$0xFFFFFFF0];
	[tilespmem:s28+$0xFFFFFFE0] =	vst v0;
	v0 =	vadd.f32 v3, v6  }
0x105: {  	v3 =	vld [tilespmem:s30+$0x0];
	[tilespmem:s28+$0xFFFFFFF0] =	vst v2;
	v2 =	vadd.f32 v10, v8  }
0x106: {  	v10 =	vld [tilespmem:s30+$0x10];
	[tilespmem:s28+$0x0] =	vst v0;
	v0 =	vadd.f32 v11, v4  }
0x107: {  	v11 =	vld [tilespmem:s30+$0x20];
	[tilespmem:s28+$0x10] =	vst v2  }
0x108: {  	v2 =	vld [tilespmem:s30+$0xFFFFFFC0];
	[tilespmem:s28+$0x20] =	vst v0  }
0x109: {  	s22 =	sadd.s32 $0x80, s22;
	v0 =	vld.idx.msk [tilespmem:v13+s14+$0x0], $0xffff  }
0x10a: {  	v4 =	vld [tilespmem:s22+$0x30]  }
0x10b: {  	v5 =	vld.idx.msk [tilespmem:v13+s15+$0x0], $0xffff  }
0x10c: {  	v6 =	vld.idx.msk [tilespmem:v7+s14+$0x0], $0xffff  }
0x10d: {  	v8 =	vld.idx.msk [tilespmem:v1+s14+$0x0], $0xffff  }
0x10e: {  	v9 =	vld.idx.msk [tilespmem:v12+s14+$0x0], $0xffff  }
0x10f: {  	v13 =	vld.idx.msk [tilespmem:v3+s14+$0x0], $0xffff;
	v0 =	vmul.f32 v0, v4  }
0x110: {  	v4 =	vld.idx.msk [tilespmem:v2+s14+$0x0], $0xffff  }
0x111: {  	v14 =	vld.idx.msk [tilespmem:v10+s14+$0x0], $0xffff;
	v0 =	vadd.f32 v5, v0  }
0x112: {  	s28 =	sadd.s32 $0x80, s28;
	v15 =	vld.idx.msk [tilespmem:v11+s14+$0x0], $0xffff  }
0x113: {  	v5 =	vld [tilespmem:s22+$0xFFFFFFC0];
	[tilespmem:s28+$0x30] =	vst v0  }
0x114: {  	v0 =	vld [tilespmem:s22+$0xFFFFFFD0]  }
0x115: {  	v16 =	vld [tilespmem:s22+$0xFFFFFFE0]  }
0x116: {  	v17 =	vld [tilespmem:s22+$0xFFFFFFF0]  }
0x117: {  	v18 =	vld [tilespmem:s22+$0x0]  }
0x118: {  	v19 =	vmul.f32 v4, v5;
	v4 =	vld [tilespmem:s22+$0x10]  }
0x119: {  	v5 =	vmul.f32 v6, v0;
	v20 =	vld [tilespmem:s22+$0x20]  }
0x11a: {  	v21 =	vld.idx.msk [tilespmem:v2+s15+$0x0], $0xffff;
	v0 =	vmul.f32 v8, v16  }
0x11b: {  	v7 =	vld.idx.msk [tilespmem:v7+s15+$0x0], $0xffff;
	v9 =	vmul.f32 v9, v17  }
.Ltmp8:
0x11c: {  	v1 =	vld.idx.msk [tilespmem:v1+s15+$0x0], $0xffff;
	v6 =	vmul.f32 v13, v18;
	(pc) =	sbr.rel @p1 .LBB2_3-.Ltmp8, $4  }
0x11d: {  	v2 =	vld.idx.msk [tilespmem:v12+s15+$0x0], $0xffff;
	v8 =	vmul.f32 v14, v4  }
0x11e: {  	v3 =	vld.idx.msk [tilespmem:v3+s15+$0x0], $0xffff;
	v4 =	vmul.f32 v15, v20  }
0x11f: {  	v10 =	vld.idx.msk [tilespmem:v10+s15+$0x0], $0xffff  }
0x120: {  	s30 =	sadd.s32 $0x80, s30;
	v12 =	vadd.f32 v21, v19;
	v11 =	vld.idx.msk [tilespmem:v11+s15+$0x0], $0xffff  }
0x121: {  	v5 =	vadd.f32 v7, v5  }
0x122: {  	v0 =	vadd.f32 v1, v0;
	[tilespmem:s28+$0xFFFFFFC0] =	vst v12  }
0x123: {  	v60 =	vadd.f32 v2, v9;
	[tilespmem:s28+$0xFFFFFFD0] =	vst v5  }
0x124: {  	[tilespmem:s28+$0xFFFFFFE0] =	vst v0;
	v61 =	vadd.f32 v3, v6  }
0x125: {  	[tilespmem:s28+$0xFFFFFFF0] =	vst v60;
	v62 =	vadd.f32 v10, v8  }
0x126: {  	[tilespmem:s28+$0x0] =	vst v61;
	v63 =	vadd.f32 v11, v4  }
0x127: {  	[tilespmem:s28+$0x10] =	vst v62  }
0x128: {  	[tilespmem:s28+$0x20] =	vst v63  }
.LBB2_5:
0x129: {  	v0 =	vld [tilespmem:s23+$0x0];
	_ =	sdelay $0x6  }
0x12a: {  	v1 =	vld [tilespmem:s26+$0x0]  }
0x12b: {  	v2 =	vld.idx.msk [tilespmem:v0+s14+$0x0], $0xffff;
	_ =	sdelay $0x1  }
0x12c: {  	v0 =	vld.idx.msk [tilespmem:v0+s15+$0x0], $0xffff  }
0x12d: {  	s24 =	sadd.s32 $0x10, s24  }
0x12e: {  	p1 =	slt.u32 s24, $0x610  }
.Ltmp9:
0x12f: {  	v1 =	vmul.f32 v2, v1;
	(pc) =	sbr.rel @p1 .LBB2_5-.Ltmp9, $3  }
0x130: {  	_ = 	snop  }
0x131: {  	v0 =	vadd.f32 v0, v1;
	_ =	sdelay $0x1  }
0x132: {  	s26 =	sadd.s32 $0x10, s26;
	s23 =	sadd.s32 $0x10, s23;
	[tilespmem:s25+$0x0] =	vst v0;
	s25 =	sadd.s32 $0x10, s25  }
0x133: {  	[hbm4b:s9+s4] =	stream.linear.scatter [tilespmem:s17], [sflag:$0x2], $0x620, $0x38;
	[tilespmem:$0x2680] =	vst v63  }
0x134: {  	s22 =	simm.s32 $0x1310  }
0x135: {  	v0 =	vld [tilespmem:s22+$0x0]  }
0x136: {  	v1 =	vld [tilespmem:s22+$0xFFFFFFA0]  }
0x137: {  	v2 =	vld [tilespmem:s22+$0xFFFFFFB0]  }
0x138: {  	v3 =	vld [tilespmem:s22+$0xFFFFFFC0]  }
0x139: {  	v4 =	vld [tilespmem:s22+$0xFFFFFFD0]  }
0x13a: {  	v8 =	vld [tilespmem:s22+$0xFFFFFFE0]  }
0x13b: {  	v11 =	vld [tilespmem:s22+$0xFFFFFFF0]  }
0x13c: {  	v5 =	vld [tilespmem:s22+$0xFFFFFF90];
	s22 =	simm.s32 $0x690  }
0x13d: {  	v7 =	vld [tilespmem:s22+$0x0]  }
0x13e: {  	v17 =	vld [tilespmem:s22+$0xFFFFFF90]  }
0x13f: {  	v18 =	vld [tilespmem:s22+$0xFFFFFFA0]  }
0x140: {  	v19 =	vld [tilespmem:s22+$0xFFFFFFB0]  }
0x141: {  	v20 =	vld [tilespmem:s22+$0xFFFFFFC0]  }
0x142: {  	v21 =	vld [tilespmem:s22+$0xFFFFFFD0]  }
0x143: {  	v22 =	vld [tilespmem:s22+$0xFFFFFFE0]  }
0x144: {  	v23 =	vld [tilespmem:s22+$0xFFFFFFF0]  }
0x145: {  	v6 =	vld.idx.msk [tilespmem:v0+s14+$0x0], $0xffff  }
0x146: {  	v0 =	vld.idx.msk [tilespmem:v0+s15+$0x0], $0xffff  }
0x147: {  	v9 =	vld.idx.msk [tilespmem:v1+s14+$0x0], $0xffff  }
0x148: {  	v10 =	vld.idx.msk [tilespmem:v2+s14+$0x0], $0xffff  }
0x149: {  	v12 =	vld.idx.msk [tilespmem:v3+s14+$0x0], $0xffff  }
0x14a: {  	v13 =	vld.idx.msk [tilespmem:v4+s14+$0x0], $0xffff  }
0x14b: {  	v14 =	vld.idx.msk [tilespmem:v5+s14+$0x0], $0xffff  }
0x14c: {  	v15 =	vld.idx.msk [tilespmem:v8+s14+$0x0], $0xffff  }
0x14d: {  	v16 =	vld.idx.msk [tilespmem:v11+s14+$0x0], $0xffff  }
0x14e: {  	v24 =	vld.idx.msk [tilespmem:v5+s15+$0x0], $0xffff  }
0x14f: {  	v11 =	vld.idx.msk [tilespmem:v11+s15+$0x0], $0xffff  }
0x150: {  	v5 =	vmul.f32 v6, v7;
	v7 =	vld.idx.msk [tilespmem:v1+s15+$0x0], $0xffff  }
0x151: {  	v1 =	vld.idx.msk [tilespmem:v2+s15+$0x0], $0xffff  }
0x152: {  	v14 =	vmul.f32 v14, v17;
	v2 =	vld.idx.msk [tilespmem:v3+s15+$0x0], $0xffff  }
0x153: {  	s28 =	simm.s32 $0x1F90;
	v3 =	vld.idx.msk [tilespmem:v4+s15+$0x0], $0xffff;
	v4 =	vmul.f32 v16, v23;
	v6 =	vadd.f32 v0, v5;
	v5 =	vmul.f32 v9, v18  }
0x154: {  	s29 =	simm.s32 $0x620;
	s23 =	simm.s32 $0x18A0;
	s24 =	simm.s32 $0xC10;
	v0 =	vmul.f32 v10, v19;
	v9 =	vmul.f32 v12, v20;
	v10 =	vld.idx.msk [tilespmem:v8+s15+$0x0], $0xffff  }
0x155: {  	s25 =	simm.s32 $0x2520;
	s26 =	simm.s32 $0xC20;
	s30 =	simm.s32 $0x1390;
	v8 =	vmul.f32 v15, v22;
	v12 =	vadd.f32 v24, v14;
	[tilespmem:s28+$0x0] =	vst v6;
	v6 =	vmul.f32 v13, v21  }
.LBB2_7:
0x156: {  	v13 =	vld [tilespmem:s30+$0x0];
	s29 =	sadd.s32 $0x80, s29;
	v5 =	vadd.f32 v7, v5  }
0x157: {  	v0 =	vadd.f32 v1, v0;
	v7 =	vld [tilespmem:s30+$0xFFFFFFA0];
	p1 =	slt.u32 s29, $0xBA0;
	[tilespmem:s28+$0xFFFFFF90] =	vst v12  }
0x158: {  	v2 =	vadd.f32 v2, v9;
	v1 =	vld [tilespmem:s30+$0xFFFFFFB0];
	[tilespmem:s28+$0xFFFFFFA0] =	vst v5  }
0x159: {  	v12 =	vld [tilespmem:s30+$0xFFFFFFC0];
	[tilespmem:s28+$0xFFFFFFB0] =	vst v0;
	v0 =	vadd.f32 v3, v6  }
0x15a: {  	v3 =	vld [tilespmem:s30+$0xFFFFFFD0];
	[tilespmem:s28+$0xFFFFFFC0] =	vst v2;
	v2 =	vadd.f32 v10, v8  }
0x15b: {  	v10 =	vld [tilespmem:s30+$0xFFFFFFE0];
	[tilespmem:s28+$0xFFFFFFD0] =	vst v0;
	v0 =	vadd.f32 v11, v4  }
0x15c: {  	v11 =	vld [tilespmem:s30+$0xFFFFFFF0];
	[tilespmem:s28+$0xFFFFFFE0] =	vst v2  }
0x15d: {  	v2 =	vld [tilespmem:s30+$0xFFFFFF90];
	[tilespmem:s28+$0xFFFFFFF0] =	vst v0  }
0x15e: {  	s22 =	sadd.s32 $0x80, s22;
	v0 =	vld.idx.msk [tilespmem:v13+s14+$0x0], $0xffff  }
0x15f: {  	v4 =	vld [tilespmem:s22+$0x0]  }
0x160: {  	v5 =	vld.idx.msk [tilespmem:v13+s15+$0x0], $0xffff  }
0x161: {  	v6 =	vld.idx.msk [tilespmem:v7+s14+$0x0], $0xffff  }
0x162: {  	v8 =	vld.idx.msk [tilespmem:v1+s14+$0x0], $0xffff  }
0x163: {  	v9 =	vld.idx.msk [tilespmem:v12+s14+$0x0], $0xffff  }
0x164: {  	v13 =	vld.idx.msk [tilespmem:v3+s14+$0x0], $0xffff;
	v0 =	vmul.f32 v0, v4  }
0x165: {  	v4 =	vld.idx.msk [tilespmem:v2+s14+$0x0], $0xffff  }
0x166: {  	v14 =	vld.idx.msk [tilespmem:v10+s14+$0x0], $0xffff;
	v0 =	vadd.f32 v5, v0  }
0x167: {  	s28 =	sadd.s32 $0x80, s28;
	v15 =	vld.idx.msk [tilespmem:v11+s14+$0x0], $0xffff  }
0x168: {  	v5 =	vld [tilespmem:s22+$0xFFFFFF90];
	[tilespmem:s28+$0x0] =	vst v0  }
0x169: {  	v0 =	vld [tilespmem:s22+$0xFFFFFFA0]  }
0x16a: {  	v16 =	vld [tilespmem:s22+$0xFFFFFFB0]  }
0x16b: {  	v17 =	vld [tilespmem:s22+$0xFFFFFFC0]  }
0x16c: {  	v18 =	vld [tilespmem:s22+$0xFFFFFFD0]  }
0x16d: {  	v19 =	vmul.f32 v4, v5;
	v4 =	vld [tilespmem:s22+$0xFFFFFFE0]  }
0x16e: {  	v5 =	vmul.f32 v6, v0;
	v20 =	vld [tilespmem:s22+$0xFFFFFFF0]  }
0x16f: {  	v21 =	vld.idx.msk [tilespmem:v2+s15+$0x0], $0xffff;
	v0 =	vmul.f32 v8, v16  }
0x170: {  	v7 =	vld.idx.msk [tilespmem:v7+s15+$0x0], $0xffff;
	v9 =	vmul.f32 v9, v17  }
.Ltmp10:
0x171: {  	v1 =	vld.idx.msk [tilespmem:v1+s15+$0x0], $0xffff;
	v6 =	vmul.f32 v13, v18;
	(pc) =	sbr.rel @p1 .LBB2_7-.Ltmp10, $4  }
0x172: {  	v2 =	vld.idx.msk [tilespmem:v12+s15+$0x0], $0xffff;
	v8 =	vmul.f32 v14, v4  }
0x173: {  	v3 =	vld.idx.msk [tilespmem:v3+s15+$0x0], $0xffff;
	v4 =	vmul.f32 v15, v20  }
0x174: {  	v10 =	vld.idx.msk [tilespmem:v10+s15+$0x0], $0xffff  }
0x175: {  	s30 =	sadd.s32 $0x80, s30;
	v12 =	vadd.f32 v21, v19;
	v11 =	vld.idx.msk [tilespmem:v11+s15+$0x0], $0xffff  }
0x176: {  	v5 =	vadd.f32 v7, v5  }
0x177: {  	v0 =	vadd.f32 v1, v0;
	[tilespmem:s28+$0xFFFFFF90] =	vst v12  }
0x178: {  	v60 =	vadd.f32 v2, v9;
	[tilespmem:s28+$0xFFFFFFA0] =	vst v5  }
0x179: {  	[tilespmem:s28+$0xFFFFFFB0] =	vst v0;
	v61 =	vadd.f32 v3, v6  }
0x17a: {  	[tilespmem:s28+$0xFFFFFFC0] =	vst v60;
	v62 =	vadd.f32 v10, v8  }
0x17b: {  	[tilespmem:s28+$0xFFFFFFD0] =	vst v61;
	v63 =	vadd.f32 v11, v4  }
0x17c: {  	[tilespmem:s28+$0xFFFFFFE0] =	vst v62  }
0x17d: {  	[tilespmem:s28+$0xFFFFFFF0] =	vst v63  }
.LBB2_9:
0x17e: {  	v0 =	vld [tilespmem:s23+$0x0];
	_ =	sdelay $0x6  }
0x17f: {  	v1 =	vld [tilespmem:s26+$0x0]  }
0x180: {  	v2 =	vld.idx.msk [tilespmem:v0+s14+$0x0], $0xffff;
	_ =	sdelay $0x1  }
0x181: {  	v0 =	vld.idx.msk [tilespmem:v0+s15+$0x0], $0xffff  }
0x182: {  	s24 =	sadd.s32 $0x10, s24  }
0x183: {  	p1 =	slt.u32 s24, $0xC30  }
.Ltmp11:
0x184: {  	v1 =	vmul.f32 v2, v1;
	(pc) =	sbr.rel @p1 .LBB2_9-.Ltmp11, $3  }
0x185: {  	_ = 	snop  }
0x186: {  	v0 =	vadd.f32 v0, v1;
	_ =	sdelay $0x1  }
0x187: {  	s26 =	sadd.s32 $0x10, s26;
	s23 =	sadd.s32 $0x10, s23;
	[tilespmem:s25+$0x0] =	vst v0;
	s25 =	sadd.s32 $0x10, s25  }
0x188: {  	[hbm4b:s10+s4] =	stream.linear.scatter [tilespmem:s20], [sflag:$0x2], $0x620, $0x38;
	[tilespmem:$0x2680] =	vst v63  }
0x189: {  	_ =	swait.ge [sflag:s19], $0x620  }
.Ltmp12:
0x18a: {  	[sflag:s19] =	ssyncset.done $0x0;
	(pc) =	sbr.rel .LBB2_20-.Ltmp12, $4  }
0x18b: {  	[sflag:s19] =	ssyncadd.s32 $0xFFFFF9E0  }
0x18c: {  	_ =	swait.ge [sflag:s19], $0x620  }
0x18d: {  	[sflag:s19] =	ssyncset.done $0x0  }
0x18e: {  	[sflag:s19] =	ssyncadd.s32 $0xFFFFF9E0  }
.LBB2_21:
0x18f: {  	_ =	sfence.sel $0x180000  }
0x190: {  	[bflag:$0x0] =	sbarrier.arrive $0xFFFF  }
0x191: {  	p0 =	sne.s32 s0, $0x0;
	_ =	strace $0x90000047  }
0x192: {  	s0 =	sadd.s32 @!p0 $0x100000, s1;
	[bflag:$0x2] =	sbarrier.arrive $0xFFFF  }
0x193: {  	[sflag:s0] =	ssyncadd.tile.s32 @!p0 $0x1;
	_ =	shalt  }
.Lfunc_end2:
_tile_overlayer_lowered:
.L_overlay_start_2:
0x194: {  	(tag) =	ssettag $0x2  }
0x195: {  	s0 =	rddreg [dreg:$0x0];
	s2 =	stileid.u32  }
0x196: {  	s1 =	rddreg [dreg:$0x1];
	p0 =	sne.s32 s2, $0x0  }
0x197: {  	s3 =	rddreg [dreg:$0x2];
	[bflag:$0x3] =	sbarrier.arrive $0xFFFF;
	s2 =	simm.s32 @!p0 $0x1C03  }
0x198: {  	[timem:s3], [sflag:s2] =	dma.local @!p0 [hbm:s0], s1  }
0x199: {  	s0 =	simm.s32 @!p0 $0x3  }
0x19a: {  	_ =	swait.ge @!p0 [sflag:s0], s1  }
0x19b: {  	s1 =	ssub.s32 @!p0 $0x0, s1;
	[sflag:s0] =	ssyncset.done @!p0 $0x0  }
0x19c: {  	[sflag:s0] =	ssyncadd.s32 @!p0 s1  }
0x19d: {  	[bflag:$0x3] =	sbarrier.arrive $0xFFFF  }
0x19e: {  	_ =	shalt  }

</sc_bundles>
